<compile_context>
chip_gen: v7x
topology: tpu7x:2x2x1
jax: 0.10.2.dev20260603
libtpu: 0.0.44.dev20260713+nightly
codegen_flags: <defaults>
</compile_context>

<pallas_src>
import functools

import jax
import jax.numpy as jnp
from jax import lax
from jax.experimental import pallas as pl
from jax.experimental.pallas import tpu as pltpu
from jax.experimental.pallas import tpu_sc as plsc

N = 10000
E = 320000
D = 128

CH = 128
NCHUNK0 = 128
NCHUNK1 = 32
C1BASE = 16 * NCHUNK0
SCHUNK = 16
NBUF = 2
TOT_CHUNKS = 16 * (NCHUNK0 + NCHUNK1)
E_PAD = TOT_CHUNKS * CH
ROWS_PER_TILE = 632
ACC_ROWS = 16 * ROWS_PER_TILE


def _segment_sum_sc(h, src2d, dst2d, zeros_init):
    mesh = plsc.VectorSubcoreMesh(core_axis_name="c", subcore_axis_name="s")

    @functools.partial(
        pl.kernel,
        out_type=jax.ShapeDtypeStruct((2, ACC_ROWS, D), jnp.float32),
        mesh=mesh,
        scratch_types=[
            pltpu.VMEM((NCHUNK0, CH), jnp.int32),
            pltpu.VMEM((NCHUNK0, CH), jnp.int32),
            pltpu.VMEM((1, CH, D), jnp.float32),
            pltpu.VMEM_SHARED((ACC_ROWS, D), jnp.float32),
            pltpu.SemaphoreType.DMA((1,)),
        ],
    )
    def k(h_hbm, src_hbm, dst_hbm, zero_hbm, out_hbm, src_v, dst_v, rows_v,
          acc_sh, sem):
        c = lax.axis_index("c")
        s = lax.axis_index("s")
        pltpu.sync_copy(zero_hbm.at[pl.ds(s * ROWS_PER_TILE, ROWS_PER_TILE)],
                        acc_sh.at[pl.ds(s * ROWS_PER_TILE, ROWS_PER_TILE)])
        plsc.subcore_barrier()

        @pl.when(c == 0)
        def _():
            pltpu.sync_copy(src_hbm.at[pl.ds(s * NCHUNK0, NCHUNK0)], src_v)
            pltpu.sync_copy(dst_hbm.at[pl.ds(s * NCHUNK0, NCHUNK0)], dst_v)

        @pl.when(c == 1)
        def _():
            pltpu.sync_copy(src_hbm.at[pl.ds(C1BASE + s * NCHUNK1, NCHUNK1)],
                            src_v.at[pl.ds(0, NCHUNK1)])
            pltpu.sync_copy(dst_hbm.at[pl.ds(C1BASE + s * NCHUNK1, NCHUNK1)],
                            dst_v.at[pl.ds(0, NCHUNK1)])

        nch = jnp.where(c == 0, NCHUNK0, NCHUNK1)

        def body(j, carry):
            pltpu.async_copy(h_hbm.at[src_v.at[j]], rows_v.at[0],
                             sem.at[0]).wait()
            pltpu.sync_copy(rows_v.at[0], acc_sh.at[dst_v.at[j]], add=True)
            return carry

        lax.fori_loop(0, nch, body, 0)
        plsc.subcore_barrier()
        pltpu.sync_copy(acc_sh.at[pl.ds(s * ROWS_PER_TILE, ROWS_PER_TILE)],
                        out_hbm.at[c, pl.ds(s * ROWS_PER_TILE, ROWS_PER_TILE)])

    return k(h, src2d, dst2d, zeros_init)


_P = jax.lax.Precision.HIGHEST
BLK = 1000


def _mlp1(x, agg, Wa, ba, Wb, bb):
    def body(x_ref, a_ref, b_ref, wa_ref, ba_ref, wb_ref, bb_ref, o_ref):
        z = x_ref[...] + a_ref[0] + b_ref[0]
        t = jnp.maximum(
            jnp.dot(z, wa_ref[...], precision=_P,
                    preferred_element_type=jnp.float32) + ba_ref[...], 0.0)
        o_ref[...] = jnp.maximum(
            jnp.dot(t, wb_ref[...], precision=_P,
                    preferred_element_type=jnp.float32) + bb_ref[...], 0.0)

    return pl.pallas_call(
        body,
        grid=(N // BLK,),
        in_specs=[
            pl.BlockSpec((BLK, D), lambda i: (i, 0)),
            pl.BlockSpec((1, BLK, D), lambda i: (0, i, 0)),
            pl.BlockSpec((1, BLK, D), lambda i: (1, i, 0)),
            pl.BlockSpec((D, D), lambda i: (0, 0)),
            pl.BlockSpec((1, D), lambda i: (0, 0)),
            pl.BlockSpec((D, D), lambda i: (0, 0)),
            pl.BlockSpec((1, D), lambda i: (0, 0)),
        ],
        out_specs=pl.BlockSpec((BLK, D), lambda i: (i, 0)),
        out_shape=jax.ShapeDtypeStruct((N, D), jnp.float32),
    )(x, agg, agg, Wa, ba.reshape(1, D), Wb, bb.reshape(1, D))


def _mlp2_pool_lin(h, agg, Wa, ba, Wb, bb, Wlin, blin):
    def body(h_ref, a_ref, b_ref, wa_ref, ba_ref, wb_ref, bb_ref, wl_ref,
             bl_ref, o_ref, acc_ref):
        i = pl.program_id(0)

        @pl.when(i == 0)
        def _():
            acc_ref[...] = jnp.zeros_like(acc_ref)

        z = h_ref[...] + a_ref[0] + b_ref[0]
        t = jnp.maximum(
            jnp.dot(z, wa_ref[...], precision=_P,
                    preferred_element_type=jnp.float32) + ba_ref[...], 0.0)
        h2 = jnp.maximum(
            jnp.dot(t, wb_ref[...], precision=_P,
                    preferred_element_type=jnp.float32) + bb_ref[...], 0.0)
        acc_ref[...] += jnp.sum(h2, axis=0, keepdims=True)

        @pl.when(i == pl.num_programs(0) - 1)
        def _():
            o_ref[...] = jnp.dot(acc_ref[...], wl_ref[...], precision=_P,
                                 preferred_element_type=jnp.float32) + bl_ref[...]

    return pl.pallas_call(
        body,
        grid=(N // BLK,),
        in_specs=[
            pl.BlockSpec((BLK, D), lambda i: (i, 0)),
            pl.BlockSpec((1, BLK, D), lambda i: (0, i, 0)),
            pl.BlockSpec((1, BLK, D), lambda i: (1, i, 0)),
            pl.BlockSpec((D, D), lambda i: (0, 0)),
            pl.BlockSpec((1, D), lambda i: (0, 0)),
            pl.BlockSpec((D, D), lambda i: (0, 0)),
            pl.BlockSpec((1, D), lambda i: (0, 0)),
            pl.BlockSpec((D, D), lambda i: (0, 0)),
            pl.BlockSpec((1, D), lambda i: (0, 0)),
        ],
        out_specs=pl.BlockSpec((1, D), lambda i: (0, 0)),
        out_shape=jax.ShapeDtypeStruct((1, D), jnp.float32),
        scratch_shapes=[pltpu.VMEM((1, D), jnp.float32)],
    )(h, agg, agg, Wa, ba.reshape(1, D), Wb, bb.reshape(1, D), Wlin,
      blin.reshape(1, D))


def kernel(x, edge_index, W1a, b1a, W1b, b1b, W2a, b2a, W2b, b2b, Wlin, blin):
    src = edge_index[0]
    dst = edge_index[1]
    pad = E_PAD - E
    src2d = jnp.concatenate([src, jnp.zeros((pad,), jnp.int32)]).reshape(-1, CH)
    dst2d = jnp.concatenate([dst, jnp.full((pad,), N, jnp.int32)]).reshape(-1, CH)
    zeros_init = jnp.zeros((ACC_ROWS, D), jnp.float32)

    agg1 = _segment_sum_sc(x, src2d, dst2d, zeros_init)
    h1 = _mlp1(x, agg1, W1a, b1a, W1b, b1b)
    agg2 = _segment_sum_sc(h1 * 1.0, src2d, dst2d, zeros_init)
    return _mlp2_pool_lin(h1, agg2, W2a, b2a, W2b, b2b, Wlin, blin)

# --- scband reference (transcript-rebuilt; emitter-appended) ---
"""Pipeline reference for scband-gin-3100966387997 (READ-ONLY COPY).

The authoritative reference and input builder live on the scoring server;
editing this copy changes nothing except your own understanding.
"""

import jax, jax.numpy as jnp
import numpy as np

N = 10000
E = 320000
D = 128
H = 128
O = 128

def setup_inputs(seed: int = 0) -> dict:
    key = jax.random.key(seed)
    ks = jax.random.split(key, 12)
    s = 0.05
    x = jax.random.normal(ks[0], (N, D), dtype=jnp.float32)
    edge_index = jax.random.randint(ks[1], (2, E), 0, N, dtype=jnp.int32)
    W1a = jax.random.normal(ks[2], (D, H), dtype=jnp.float32) * s
    b1a = jnp.zeros((H,), dtype=jnp.float32)
    W1b = jax.random.normal(ks[3], (H, H), dtype=jnp.float32) * s
    b1b = jnp.zeros((H,), dtype=jnp.float32)
    W2a = jax.random.normal(ks[4], (H, H), dtype=jnp.float32) * s
    b2a = jnp.zeros((H,), dtype=jnp.float32)
    W2b = jax.random.normal(ks[5], (H, H), dtype=jnp.float32) * s
    b2b = jnp.zeros((H,), dtype=jnp.float32)
    Wlin = jax.random.normal(ks[6], (H, O), dtype=jnp.float32) * s
    blin = jnp.zeros((O,), dtype=jnp.float32)
    return {"x": x, "edge_index": edge_index, "W1a": W1a, "b1a": b1a, "W1b": W1b, "b1b": b1b,
            "W2a": W2a, "b2a": b2a, "W2b": W2b, "b2b": b2b, "Wlin": Wlin, "blin": blin}

def reference(x, edge_index, W1a, b1a, W1b, b1b, W2a, b2a, W2b, b2b, Wlin, blin):
    # GINConv (PyG, eps=0): out = mlp((1+eps)*x + sum_{j in N(i)} x_j)
    src = edge_index[0]
    dst = edge_index[1]
    n = x.shape[0]

    def gin_conv(h, Wa, ba, Wb, bb):
        agg = jax.ops.segment_sum(jnp.take(h, src, axis=0), dst, num_segments=n)
        z = h + agg  # eps = 0 -> (1 + 0) * h + agg
        z = jax.nn.relu(z @ Wa + ba)
        return z @ Wb + bb

    h = jax.nn.relu(gin_conv(x, W1a, b1a, W1b, b1b))
    h = jax.nn.relu(gin_conv(h, W2a, b2a, W2b, b2b))
    # global_add_pool with batch = zeros -> single graph: sum over all nodes
    pooled = jnp.sum(h, axis=0, keepdims=True)  # [1, H]
    return pooled @ Wlin + blin  # [1, O]

if __name__ == "__main__":
    import jax
    _d = setup_inputs()
    print(jax.jit(kernel)(*tuple(_d.values())))

</pallas_src>

<mosaic_0001>
#map = affine_map<(d0, d1) -> (0, 0)>
#map1 = affine_map<(d0, d1) -> (0, 0, 0)>
module attributes {stable_mosaic.version = 14 : i64} {
  func.func @k(%arg0: i32, %arg1: i32, %arg2: memref<10000x128xf32, #tpu.memory_space<hbm>>, %arg3: memref<2560x128xi32, #tpu.memory_space<hbm>>, %arg4: memref<2560x128xi32, #tpu.memory_space<hbm>>, %arg5: memref<10112x128xf32, #tpu.memory_space<hbm>>, %arg6: memref<2x10112x128xf32, #tpu.memory_space<hbm>>, %arg7: memref<128x128xi32, #tpu.memory_space<vmem>>, %arg8: memref<128x128xi32, #tpu.memory_space<vmem>>, %arg9: memref<1x128x128xf32, #tpu.memory_space<vmem>>, %arg10: memref<10112x128xf32, #tpu.memory_space<vmem_shared>>, %arg11: memref<1x!tpu.dma_semaphore, #tpu.memory_space<semaphore_mem>>) attributes {dimension_semantics = [#tpu.dimension_semantics<core_parallel>, #tpu.dimension_semantics<subcore_parallel>], iteration_bounds = array<i64: 2, 16>, scalar_prefetch = 0 : i64, scratch_operands = 5 : i64, tpu.core_type = #tpu.core_type<sc_vector_subcore>, window_params = [{transform_indices = #map}, {transform_indices = #map}, {transform_indices = #map}, {transform_indices = #map}, {transform_indices = #map1}]} {
    %mul3A = arith.constant 632 : i32
    %mul3A_0 = arith.muli %arg1, %mul3A : i32
    %mul3A_1 = arith.constant 632 : i32
    %mul3A_2 = arith.muli %arg1, %mul3A_1 : i32
    "tpu.region"() ({
      %run_scoped3A = tpu.sem_alloc : memref<!tpu.dma_semaphore, #tpu.memory_space<semaphore_mem>>
      %dma_start3A = arith.constant 0 : i32
      %dma_start3A_27 = tpu.memref_slice %arg10[%mul3A_2, %dma_start3A] : memref<10112x128xf32, #tpu.memory_space<vmem_shared>> -> memref<632x128xf32, #tpu.memory_space<vmem_shared>>
      %dma_start3A_28 = arith.constant 0 : i32
      %dma_start3A_29 = tpu.memref_slice %arg5[%mul3A_0, %dma_start3A_28] : memref<10112x128xf32, #tpu.memory_space<hbm>> -> memref<632x128xf32, #tpu.memory_space<hbm>>
      tpu.enqueue_dma source(%dma_start3A_29 : memref<632x128xf32, #tpu.memory_space<hbm>>) target(%dma_start3A_27 : memref<632x128xf32, #tpu.memory_space<vmem_shared>>) target_semaphore(%run_scoped3A : memref<!tpu.dma_semaphore, #tpu.memory_space<semaphore_mem>>)
      %dma_wait3A = arith.constant 0 : i32
      %dma_wait3A_30 = tpu.memref_slice %arg10[%mul3A_2, %dma_wait3A] : memref<10112x128xf32, #tpu.memory_space<vmem_shared>> -> memref<632x128xf32, #tpu.memory_space<vmem_shared>>
      %dma_wait3A_31 = arith.constant 0 : i32
      %dma_wait3A_32 = tpu.memref_slice %arg5[%mul3A_0, %dma_wait3A_31] : memref<10112x128xf32, #tpu.memory_space<hbm>> -> memref<632x128xf32, #tpu.memory_space<hbm>>
      tpu.wait_dma2 semaphore(%run_scoped3A : memref<!tpu.dma_semaphore, #tpu.memory_space<semaphore_mem>>) src(%dma_wait3A_32 : memref<632x128xf32, #tpu.memory_space<hbm>>) dst(%dma_wait3A_30 : memref<632x128xf32, #tpu.memory_space<vmem_shared>>)
      tpu.yield
    }) : () -> ()
    %barrier3A = arith.constant 0 : index
    tpu.barrier barrier_id(%barrier3A)
    %eq3A = arith.constant 0 : i32
    %eq3A_3 = arith.cmpi eq, %arg0, %eq3A : i32
    %convert_element_type3A = arith.extui %eq3A_3 : i1 to i32
    %cond3A = arith.constant 0 : i32
    %cond3A_4 = arith.cmpi ne, %convert_element_type3A, %cond3A : i32
    scf.if %cond3A_4 {
      %mul3A_27 = arith.constant 128 : i32
      %mul3A_28 = arith.muli %arg1, %mul3A_27 : i32
      "tpu.region"() ({
        %run_scoped3A = tpu.sem_alloc : memref<!tpu.dma_semaphore, #tpu.memory_space<semaphore_mem>>
        %dma_start3A = arith.constant 0 : i32
        %dma_start3A_31 = tpu.memref_slice %arg3[%mul3A_28, %dma_start3A] : memref<2560x128xi32, #tpu.memory_space<hbm>> -> memref<128x128xi32, #tpu.memory_space<hbm>>
        %dma_start3A_32 = arith.constant 0 : i32
        %dma_start3A_33 = tpu.memref_slice %arg3[%mul3A_28, %dma_start3A_32] : memref<2560x128xi32, #tpu.memory_space<hbm>> -> memref<128x128xi32, #tpu.memory_space<hbm>>
        tpu.enqueue_dma source(%dma_start3A_33 : memref<128x128xi32, #tpu.memory_space<hbm>>) target(%arg7 : memref<128x128xi32, #tpu.memory_space<vmem>>) target_semaphore(%run_scoped3A : memref<!tpu.dma_semaphore, #tpu.memory_space<semaphore_mem>>)
        %dma_wait3A = arith.constant 0 : i32
        %dma_wait3A_34 = tpu.memref_slice %arg3[%mul3A_28, %dma_wait3A] : memref<2560x128xi32, #tpu.memory_space<hbm>> -> memref<128x128xi32, #tpu.memory_space<hbm>>
        %dma_wait3A_35 = arith.constant 0 : i32
        %dma_wait3A_36 = tpu.memref_slice %arg3[%mul3A_28, %dma_wait3A_35] : memref<2560x128xi32, #tpu.memory_space<hbm>> -> memref<128x128xi32, #tpu.memory_space<hbm>>
        tpu.wait_dma2 semaphore(%run_scoped3A : memref<!tpu.dma_semaphore, #tpu.memory_space<semaphore_mem>>) src(%dma_wait3A_36 : memref<128x128xi32, #tpu.memory_space<hbm>>) dst(%arg7 : memref<128x128xi32, #tpu.memory_space<vmem>>)
        tpu.yield
      }) : () -> ()
      %mul3A_29 = arith.constant 128 : i32
      %mul3A_30 = arith.muli %arg1, %mul3A_29 : i32
      "tpu.region"() ({
        %run_scoped3A = tpu.sem_alloc : memref<!tpu.dma_semaphore, #tpu.memory_space<semaphore_mem>>
        %dma_start3A = arith.constant 0 : i32
        %dma_start3A_31 = tpu.memref_slice %arg4[%mul3A_30, %dma_start3A] : memref<2560x128xi32, #tpu.memory_space<hbm>> -> memref<128x128xi32, #tpu.memory_space<hbm>>
        %dma_start3A_32 = arith.constant 0 : i32
        %dma_start3A_33 = tpu.memref_slice %arg4[%mul3A_30, %dma_start3A_32] : memref<2560x128xi32, #tpu.memory_space<hbm>> -> memref<128x128xi32, #tpu.memory_space<hbm>>
        tpu.enqueue_dma source(%dma_start3A_33 : memref<128x128xi32, #tpu.memory_space<hbm>>) target(%arg8 : memref<128x128xi32, #tpu.memory_space<vmem>>) target_semaphore(%run_scoped3A : memref<!tpu.dma_semaphore, #tpu.memory_space<semaphore_mem>>)
        %dma_wait3A = arith.constant 0 : i32
        %dma_wait3A_34 = tpu.memref_slice %arg4[%mul3A_30, %dma_wait3A] : memref<2560x128xi32, #tpu.memory_space<hbm>> -> memref<128x128xi32, #tpu.memory_space<hbm>>
        %dma_wait3A_35 = arith.constant 0 : i32
        %dma_wait3A_36 = tpu.memref_slice %arg4[%mul3A_30, %dma_wait3A_35] : memref<2560x128xi32, #tpu.memory_space<hbm>> -> memref<128x128xi32, #tpu.memory_space<hbm>>
        tpu.wait_dma2 semaphore(%run_scoped3A : memref<!tpu.dma_semaphore, #tpu.memory_space<semaphore_mem>>) src(%dma_wait3A_36 : memref<128x128xi32, #tpu.memory_space<hbm>>) dst(%arg8 : memref<128x128xi32, #tpu.memory_space<vmem>>)
        tpu.yield
      }) : () -> ()
    } else {
    }
    %eq3A_5 = arith.constant 1 : i32
    %eq3A_6 = arith.cmpi eq, %arg0, %eq3A_5 : i32
    %convert_element_type3A_7 = arith.extui %eq3A_6 : i1 to i32
    %cond3A_8 = arith.constant 0 : i32
    %cond3A_9 = arith.cmpi ne, %convert_element_type3A_7, %cond3A_8 : i32
    scf.if %cond3A_9 {
      %mul3A_27 = arith.constant 32 : i32
      %mul3A_28 = arith.muli %arg1, %mul3A_27 : i32
      %add3A = arith.constant 2048 : i32
      %add3A_29 = arith.addi %add3A, %mul3A_28 : i32
      "tpu.region"() ({
        %run_scoped3A = tpu.sem_alloc : memref<!tpu.dma_semaphore, #tpu.memory_space<semaphore_mem>>
        %dma_start3A = arith.constant 0 : i32
        %dma_start3A_34 = arith.constant 0 : i32
        %dma_start3A_35 = tpu.memref_slice %arg7[%dma_start3A, %dma_start3A_34] : memref<128x128xi32, #tpu.memory_space<vmem>> -> memref<32x128xi32, #tpu.memory_space<vmem>>
        %dma_start3A_36 = arith.constant 0 : i32
        %dma_start3A_37 = tpu.memref_slice %arg3[%add3A_29, %dma_start3A_36] : memref<2560x128xi32, #tpu.memory_space<hbm>> -> memref<32x128xi32, #tpu.memory_space<hbm>>
        %dma_start3A_38 = arith.constant 0 : i32
        %dma_start3A_39 = arith.constant 0 : i32
        %dma_start3A_40 = tpu.memref_slice %arg7[%dma_start3A_38, %dma_start3A_39] : memref<128x128xi32, #tpu.memory_space<vmem>> -> memref<32x128xi32, #tpu.memory_space<vmem>>
        %dma_start3A_41 = arith.constant 0 : i32
        %dma_start3A_42 = tpu.memref_slice %arg3[%add3A_29, %dma_start3A_41] : memref<2560x128xi32, #tpu.memory_space<hbm>> -> memref<32x128xi32, #tpu.memory_space<hbm>>
        tpu.enqueue_dma source(%dma_start3A_42 : memref<32x128xi32, #tpu.memory_space<hbm>>) target(%dma_start3A_40 : memref<32x128xi32, #tpu.memory_space<vmem>>) target_semaphore(%run_scoped3A : memref<!tpu.dma_semaphore, #tpu.memory_space<semaphore_mem>>)
        %dma_wait3A = arith.constant 0 : i32
        %dma_wait3A_43 = arith.constant 0 : i32
        %dma_wait3A_44 = tpu.memref_slice %arg7[%dma_wait3A, %dma_wait3A_43] : memref<128x128xi32, #tpu.memory_space<vmem>> -> memref<32x128xi32, #tpu.memory_space<vmem>>
        %dma_wait3A_45 = arith.constant 0 : i32
        %dma_wait3A_46 = tpu.memref_slice %arg3[%add3A_29, %dma_wait3A_45] : memref<2560x128xi32, #tpu.memory_space<hbm>> -> memref<32x128xi32, #tpu.memory_space<hbm>>
        %dma_wait3A_47 = arith.constant 0 : i32
        %dma_wait3A_48 = arith.constant 0 : i32
        %dma_wait3A_49 = tpu.memref_slice %arg7[%dma_wait3A_47, %dma_wait3A_48] : memref<128x128xi32, #tpu.memory_space<vmem>> -> memref<32x128xi32, #tpu.memory_space<vmem>>
        %dma_wait3A_50 = arith.constant 0 : i32
        %dma_wait3A_51 = tpu.memref_slice %arg3[%add3A_29, %dma_wait3A_50] : memref<2560x128xi32, #tpu.memory_space<hbm>> -> memref<32x128xi32, #tpu.memory_space<hbm>>
        tpu.wait_dma2 semaphore(%run_scoped3A : memref<!tpu.dma_semaphore, #tpu.memory_space<semaphore_mem>>) src(%dma_wait3A_51 : memref<32x128xi32, #tpu.memory_space<hbm>>) dst(%dma_wait3A_49 : memref<32x128xi32, #tpu.memory_space<vmem>>)
        tpu.yield
      }) : () -> ()
      %mul3A_30 = arith.constant 32 : i32
      %mul3A_31 = arith.muli %arg1, %mul3A_30 : i32
      %add3A_32 = arith.constant 2048 : i32
      %add3A_33 = arith.addi %add3A_32, %mul3A_31 : i32
      "tpu.region"() ({
        %run_scoped3A = tpu.sem_alloc : memref<!tpu.dma_semaphore, #tpu.memory_space<semaphore_mem>>
        %dma_start3A = arith.constant 0 : i32
        %dma_start3A_34 = arith.constant 0 : i32
        %dma_start3A_35 = tpu.memref_slice %arg8[%dma_start3A, %dma_start3A_34] : memref<128x128xi32, #tpu.memory_space<vmem>> -> memref<32x128xi32, #tpu.memory_space<vmem>>
        %dma_start3A_36 = arith.constant 0 : i32
        %dma_start3A_37 = tpu.memref_slice %arg4[%add3A_33, %dma_start3A_36] : memref<2560x128xi32, #tpu.memory_space<hbm>> -> memref<32x128xi32, #tpu.memory_space<hbm>>
        %dma_start3A_38 = arith.constant 0 : i32
        %dma_start3A_39 = arith.constant 0 : i32
        %dma_start3A_40 = tpu.memref_slice %arg8[%dma_start3A_38, %dma_start3A_39] : memref<128x128xi32, #tpu.memory_space<vmem>> -> memref<32x128xi32, #tpu.memory_space<vmem>>
        %dma_start3A_41 = arith.constant 0 : i32
        %dma_start3A_42 = tpu.memref_slice %arg4[%add3A_33, %dma_start3A_41] : memref<2560x128xi32, #tpu.memory_space<hbm>> -> memref<32x128xi32, #tpu.memory_space<hbm>>
        tpu.enqueue_dma source(%dma_start3A_42 : memref<32x128xi32, #tpu.memory_space<hbm>>) target(%dma_start3A_40 : memref<32x128xi32, #tpu.memory_space<vmem>>) target_semaphore(%run_scoped3A : memref<!tpu.dma_semaphore, #tpu.memory_space<semaphore_mem>>)
        %dma_wait3A = arith.constant 0 : i32
        %dma_wait3A_43 = arith.constant 0 : i32
        %dma_wait3A_44 = tpu.memref_slice %arg8[%dma_wait3A, %dma_wait3A_43] : memref<128x128xi32, #tpu.memory_space<vmem>> -> memref<32x128xi32, #tpu.memory_space<vmem>>
        %dma_wait3A_45 = arith.constant 0 : i32
        %dma_wait3A_46 = tpu.memref_slice %arg4[%add3A_33, %dma_wait3A_45] : memref<2560x128xi32, #tpu.memory_space<hbm>> -> memref<32x128xi32, #tpu.memory_space<hbm>>
        %dma_wait3A_47 = arith.constant 0 : i32
        %dma_wait3A_48 = arith.constant 0 : i32
        %dma_wait3A_49 = tpu.memref_slice %arg8[%dma_wait3A_47, %dma_wait3A_48] : memref<128x128xi32, #tpu.memory_space<vmem>> -> memref<32x128xi32, #tpu.memory_space<vmem>>
        %dma_wait3A_50 = arith.constant 0 : i32
        %dma_wait3A_51 = tpu.memref_slice %arg4[%add3A_33, %dma_wait3A_50] : memref<2560x128xi32, #tpu.memory_space<hbm>> -> memref<32x128xi32, #tpu.memory_space<hbm>>
        tpu.wait_dma2 semaphore(%run_scoped3A : memref<!tpu.dma_semaphore, #tpu.memory_space<semaphore_mem>>) src(%dma_wait3A_51 : memref<32x128xi32, #tpu.memory_space<hbm>>) dst(%dma_wait3A_49 : memref<32x128xi32, #tpu.memory_space<vmem>>)
        tpu.yield
      }) : () -> ()
    } else {
    }
    %eq3A_10 = arith.constant 0 : i32
    %eq3A_11 = arith.cmpi eq, %arg0, %eq3A_10 : i32
    %jit3A = arith.constant 128 : i32
    %jit3A_12 = arith.constant 32 : i32
    %select_n3A = arith.select %eq3A_11, %jit3A, %jit3A_12 : i32
    %while3A = arith.constant 0 : i32
    %while3A_13 = arith.constant 0 : i32
    %while3A_14 = arith.subi %select_n3A, %while3A_13 : i32
    %while3A_15 = arith.addi %while3A_13, %while3A_14 : i32
    %while3A_16 = arith.constant 1 : i32
    %while3A_17 = arith.divsi %while3A_14, %while3A_16 : i32
    %while3A_18 = arith.muli %while3A_17, %while3A_16 : i32
    %while3A_19 = arith.addi %while3A_13, %while3A_18 : i32
    %while3A_20 = arith.constant 1 : i32
    scf.for %while3A_27 = %while3A_13 to %while3A_19 step %while3A_20  : i32 {
      %dma_start3A = arith.constant 0 : i32
      %dma_start3A_28 = arith.constant 0 : i32
      %dma_start3A_29 = arith.constant 0 : i32
      %dma_start3A_30 = arith.constant 0 : i32
      %dma_start3A_31 = tpu.memref_slice %arg9[%dma_start3A, %dma_start3A_29, %dma_start3A_30] : memref<1x128x128xf32, #tpu.memory_space<vmem>> -> memref<1x128x128xf32, #tpu.memory_space<vmem>>
      %dma_start3A_32 = tpu.memref_squeeze %dma_start3A_31 : memref<1x128x128xf32, #tpu.memory_space<vmem>> -> memref<128x128xf32, #tpu.memory_space<vmem>>
      %dma_start3A_33 = arith.constant 0 : i32
      %dma_start3A_34 = tpu.memref_slice %arg7[%while3A_27, %dma_start3A_33] : memref<128x128xi32, #tpu.memory_space<vmem>> -> memref<1x128xi32, #tpu.memory_space<vmem>>
      %dma_start3A_35 = tpu.memref_squeeze %dma_start3A_34 : memref<1x128xi32, #tpu.memory_space<vmem>> -> memref<128xi32, #tpu.memory_space<vmem>>
      %dma_start3A_36 = arith.constant 0 : i32
      %dma_start3A_37 = arith.constant 0 : i32
      %dma_start3A_38 = tpu.memref_slice %arg2[%dma_start3A_36, %dma_start3A_37] : memref<10000x128xf32, #tpu.memory_space<hbm>> -> memref<10000x128xf32, #tpu.memory_space<hbm>>
      %dma_start3A_39 = tpu.memref_slice %arg11[%dma_start3A_28] : memref<1x!tpu.dma_semaphore, #tpu.memory_space<semaphore_mem>> -> memref<1x!tpu.dma_semaphore, #tpu.memory_space<semaphore_mem>>
      %dma_start3A_40 = tpu.memref_squeeze %dma_start3A_39 : memref<1x!tpu.dma_semaphore, #tpu.memory_space<semaphore_mem>> -> memref<!tpu.dma_semaphore, #tpu.memory_space<semaphore_mem>>
      tpu.enqueue_indirect_dma source(%dma_start3A_38 : memref<10000x128xf32, #tpu.memory_space<hbm>>) target(%dma_start3A_32 : memref<128x128xf32, #tpu.memory_space<vmem>>) offsets(%dma_start3A_35 : memref<128xi32, #tpu.memory_space<vmem>>) semaphore(%dma_start3A_40 : memref<!tpu.dma_semaphore, #tpu.memory_space<semaphore_mem>>)
      %dma_wait3A = arith.constant 0 : i32
      %dma_wait3A_41 = arith.constant 0 : i32
      %dma_wait3A_42 = arith.constant 0 : i32
      %dma_wait3A_43 = arith.constant 0 : i32
      %dma_wait3A_44 = tpu.memref_slice %arg9[%dma_wait3A, %dma_wait3A_42, %dma_wait3A_43] : memref<1x128x128xf32, #tpu.memory_space<vmem>> -> memref<1x128x128xf32, #tpu.memory_space<vmem>>
      %dma_wait3A_45 = tpu.memref_squeeze %dma_wait3A_44 : memref<1x128x128xf32, #tpu.memory_space<vmem>> -> memref<128x128xf32, #tpu.memory_space<vmem>>
      %dma_wait3A_46 = arith.constant 0 : i32
      %dma_wait3A_47 = tpu.memref_slice %arg7[%while3A_27, %dma_wait3A_46] : memref<128x128xi32, #tpu.memory_space<vmem>> -> memref<1x128xi32, #tpu.memory_space<vmem>>
      %dma_wait3A_48 = tpu.memref_squeeze %dma_wait3A_47 : memref<1x128xi32, #tpu.memory_space<vmem>> -> memref<128xi32, #tpu.memory_space<vmem>>
      %dma_wait3A_49 = arith.constant 0 : i32
      %dma_wait3A_50 = arith.constant 0 : i32
      %dma_wait3A_51 = tpu.memref_slice %arg2[%dma_wait3A_49, %dma_wait3A_50] : memref<10000x128xf32, #tpu.memory_space<hbm>> -> memref<10000x128xf32, #tpu.memory_space<hbm>>
      %dma_wait3A_52 = tpu.memref_slice %arg11[%dma_wait3A_41] : memref<1x!tpu.dma_semaphore, #tpu.memory_space<semaphore_mem>> -> memref<1x!tpu.dma_semaphore, #tpu.memory_space<semaphore_mem>>
      %dma_wait3A_53 = tpu.memref_squeeze %dma_wait3A_52 : memref<1x!tpu.dma_semaphore, #tpu.memory_space<semaphore_mem>> -> memref<!tpu.dma_semaphore, #tpu.memory_space<semaphore_mem>>
      tpu.wait_indirect_dma semaphore(%dma_wait3A_53 : memref<!tpu.dma_semaphore, #tpu.memory_space<semaphore_mem>>) src(%dma_wait3A_51 : memref<10000x128xf32, #tpu.memory_space<hbm>>) dst(%dma_wait3A_45 : memref<128x128xf32, #tpu.memory_space<vmem>>)
      %run_scoped3A = arith.constant 0 : i32
      "tpu.region"() ({
        %run_scoped3A_54 = tpu.sem_alloc : memref<!tpu.dma_semaphore, #tpu.memory_space<semaphore_mem>>
        %dma_start3A_55 = arith.constant 0 : i32
        %dma_start3A_56 = arith.constant 0 : i32
        %dma_start3A_57 = tpu.memref_slice %arg9[%run_scoped3A, %dma_start3A_55, %dma_start3A_56] : memref<1x128x128xf32, #tpu.memory_space<vmem>> -> memref<1x128x128xf32, #tpu.memory_space<vmem>>
        %dma_start3A_58 = tpu.memref_squeeze %dma_start3A_57 : memref<1x128x128xf32, #tpu.memory_space<vmem>> -> memref<128x128xf32, #tpu.memory_space<vmem>>
        %dma_start3A_59 = arith.constant 0 : i32
        %dma_start3A_60 = tpu.memref_slice %arg8[%while3A_27, %dma_start3A_59] : memref<128x128xi32, #tpu.memory_space<vmem>> -> memref<1x128xi32, #tpu.memory_space<vmem>>
        %dma_start3A_61 = tpu.memref_squeeze %dma_start3A_60 : memref<1x128xi32, #tpu.memory_space<vmem>> -> memref<128xi32, #tpu.memory_space<vmem>>
        %dma_start3A_62 = arith.constant 0 : i32
        %dma_start3A_63 = arith.constant 0 : i32
        %dma_start3A_64 = tpu.memref_slice %arg10[%dma_start3A_62, %dma_start3A_63] : memref<10112x128xf32, #tpu.memory_space<vmem_shared>> -> memref<10112x128xf32, #tpu.memory_space<vmem_shared>>
        tpu.enqueue_indirect_dma source(%dma_start3A_58 : memref<128x128xf32, #tpu.memory_space<vmem>>) target(%dma_start3A_64 : memref<10112x128xf32, #tpu.memory_space<vmem_shared>>) offsets(%dma_start3A_61 : memref<128xi32, #tpu.memory_space<vmem>>) semaphore(%run_scoped3A_54 : memref<!tpu.dma_semaphore, #tpu.memory_space<semaphore_mem>>) {add = true}
        %dma_wait3A_65 = arith.constant 0 : i32
        %dma_wait3A_66 = arith.constant 0 : i32
        %dma_wait3A_67 = tpu.memref_slice %arg9[%run_scoped3A, %dma_wait3A_65, %dma_wait3A_66] : memref<1x128x128xf32, #tpu.memory_space<vmem>> -> memref<1x128x128xf32, #tpu.memory_space<vmem>>
        %dma_wait3A_68 = tpu.memref_squeeze %dma_wait3A_67 : memref<1x128x128xf32, #tpu.memory_space<vmem>> -> memref<128x128xf32, #tpu.memory_space<vmem>>
        %dma_wait3A_69 = arith.constant 0 : i32
        %dma_wait3A_70 = tpu.memref_slice %arg8[%while3A_27, %dma_wait3A_69] : memref<128x128xi32, #tpu.memory_space<vmem>> -> memref<1x128xi32, #tpu.memory_space<vmem>>
        %dma_wait3A_71 = tpu.memref_squeeze %dma_wait3A_70 : memref<1x128xi32, #tpu.memory_space<vmem>> -> memref<128xi32, #tpu.memory_space<vmem>>
        %dma_wait3A_72 = arith.constant 0 : i32
        %dma_wait3A_73 = arith.constant 0 : i32
        %dma_wait3A_74 = tpu.memref_slice %arg10[%dma_wait3A_72, %dma_wait3A_73] : memref<10112x128xf32, #tpu.memory_space<vmem_shared>> -> memref<10112x128xf32, #tpu.memory_space<vmem_shared>>
        tpu.wait_indirect_dma semaphore(%run_scoped3A_54 : memref<!tpu.dma_semaphore, #tpu.memory_space<semaphore_mem>>) src(%dma_wait3A_68 : memref<128x128xf32, #tpu.memory_space<vmem>>) dst(%dma_wait3A_74 : memref<10112x128xf32, #tpu.memory_space<vmem_shared>>)
        tpu.yield
      }) : () -> ()
    }
    %while3A_21 = arith.constant 1 : i32
    scf.for %while3A_27 = %while3A_19 to %while3A_15 step %while3A_21  : i32 {
      %dma_start3A = arith.constant 0 : i32
      %dma_start3A_28 = arith.constant 0 : i32
      %dma_start3A_29 = arith.constant 0 : i32
      %dma_start3A_30 = arith.constant 0 : i32
      %dma_start3A_31 = tpu.memref_slice %arg9[%dma_start3A, %dma_start3A_29, %dma_start3A_30] : memref<1x128x128xf32, #tpu.memory_space<vmem>> -> memref<1x128x128xf32, #tpu.memory_space<vmem>>
      %dma_start3A_32 = tpu.memref_squeeze %dma_start3A_31 : memref<1x128x128xf32, #tpu.memory_space<vmem>> -> memref<128x128xf32, #tpu.memory_space<vmem>>
      %dma_start3A_33 = arith.constant 0 : i32
      %dma_start3A_34 = tpu.memref_slice %arg7[%while3A_27, %dma_start3A_33] : memref<128x128xi32, #tpu.memory_space<vmem>> -> memref<1x128xi32, #tpu.memory_space<vmem>>
      %dma_start3A_35 = tpu.memref_squeeze %dma_start3A_34 : memref<1x128xi32, #tpu.memory_space<vmem>> -> memref<128xi32, #tpu.memory_space<vmem>>
      %dma_start3A_36 = arith.constant 0 : i32
      %dma_start3A_37 = arith.constant 0 : i32
      %dma_start3A_38 = tpu.memref_slice %arg2[%dma_start3A_36, %dma_start3A_37] : memref<10000x128xf32, #tpu.memory_space<hbm>> -> memref<10000x128xf32, #tpu.memory_space<hbm>>
      %dma_start3A_39 = tpu.memref_slice %arg11[%dma_start3A_28] : memref<1x!tpu.dma_semaphore, #tpu.memory_space<semaphore_mem>> -> memref<1x!tpu.dma_semaphore, #tpu.memory_space<semaphore_mem>>
      %dma_start3A_40 = tpu.memref_squeeze %dma_start3A_39 : memref<1x!tpu.dma_semaphore, #tpu.memory_space<semaphore_mem>> -> memref<!tpu.dma_semaphore, #tpu.memory_space<semaphore_mem>>
      tpu.enqueue_indirect_dma source(%dma_start3A_38 : memref<10000x128xf32, #tpu.memory_space<hbm>>) target(%dma_start3A_32 : memref<128x128xf32, #tpu.memory_space<vmem>>) offsets(%dma_start3A_35 : memref<128xi32, #tpu.memory_space<vmem>>) semaphore(%dma_start3A_40 : memref<!tpu.dma_semaphore, #tpu.memory_space<semaphore_mem>>)
      %dma_wait3A = arith.constant 0 : i32
      %dma_wait3A_41 = arith.constant 0 : i32
      %dma_wait3A_42 = arith.constant 0 : i32
      %dma_wait3A_43 = arith.constant 0 : i32
      %dma_wait3A_44 = tpu.memref_slice %arg9[%dma_wait3A, %dma_wait3A_42, %dma_wait3A_43] : memref<1x128x128xf32, #tpu.memory_space<vmem>> -> memref<1x128x128xf32, #tpu.memory_space<vmem>>
      %dma_wait3A_45 = tpu.memref_squeeze %dma_wait3A_44 : memref<1x128x128xf32, #tpu.memory_space<vmem>> -> memref<128x128xf32, #tpu.memory_space<vmem>>
      %dma_wait3A_46 = arith.constant 0 : i32
      %dma_wait3A_47 = tpu.memref_slice %arg7[%while3A_27, %dma_wait3A_46] : memref<128x128xi32, #tpu.memory_space<vmem>> -> memref<1x128xi32, #tpu.memory_space<vmem>>
      %dma_wait3A_48 = tpu.memref_squeeze %dma_wait3A_47 : memref<1x128xi32, #tpu.memory_space<vmem>> -> memref<128xi32, #tpu.memory_space<vmem>>
      %dma_wait3A_49 = arith.constant 0 : i32
      %dma_wait3A_50 = arith.constant 0 : i32
      %dma_wait3A_51 = tpu.memref_slice %arg2[%dma_wait3A_49, %dma_wait3A_50] : memref<10000x128xf32, #tpu.memory_space<hbm>> -> memref<10000x128xf32, #tpu.memory_space<hbm>>
      %dma_wait3A_52 = tpu.memref_slice %arg11[%dma_wait3A_41] : memref<1x!tpu.dma_semaphore, #tpu.memory_space<semaphore_mem>> -> memref<1x!tpu.dma_semaphore, #tpu.memory_space<semaphore_mem>>
      %dma_wait3A_53 = tpu.memref_squeeze %dma_wait3A_52 : memref<1x!tpu.dma_semaphore, #tpu.memory_space<semaphore_mem>> -> memref<!tpu.dma_semaphore, #tpu.memory_space<semaphore_mem>>
      tpu.wait_indirect_dma semaphore(%dma_wait3A_53 : memref<!tpu.dma_semaphore, #tpu.memory_space<semaphore_mem>>) src(%dma_wait3A_51 : memref<10000x128xf32, #tpu.memory_space<hbm>>) dst(%dma_wait3A_45 : memref<128x128xf32, #tpu.memory_space<vmem>>)
      %run_scoped3A = arith.constant 0 : i32
      "tpu.region"() ({
        %run_scoped3A_54 = tpu.sem_alloc : memref<!tpu.dma_semaphore, #tpu.memory_space<semaphore_mem>>
        %dma_start3A_55 = arith.constant 0 : i32
        %dma_start3A_56 = arith.constant 0 : i32
        %dma_start3A_57 = tpu.memref_slice %arg9[%run_scoped3A, %dma_start3A_55, %dma_start3A_56] : memref<1x128x128xf32, #tpu.memory_space<vmem>> -> memref<1x128x128xf32, #tpu.memory_space<vmem>>
        %dma_start3A_58 = tpu.memref_squeeze %dma_start3A_57 : memref<1x128x128xf32, #tpu.memory_space<vmem>> -> memref<128x128xf32, #tpu.memory_space<vmem>>
        %dma_start3A_59 = arith.constant 0 : i32
        %dma_start3A_60 = tpu.memref_slice %arg8[%while3A_27, %dma_start3A_59] : memref<128x128xi32, #tpu.memory_space<vmem>> -> memref<1x128xi32, #tpu.memory_space<vmem>>
        %dma_start3A_61 = tpu.memref_squeeze %dma_start3A_60 : memref<1x128xi32, #tpu.memory_space<vmem>> -> memref<128xi32, #tpu.memory_space<vmem>>
        %dma_start3A_62 = arith.constant 0 : i32
        %dma_start3A_63 = arith.constant 0 : i32
        %dma_start3A_64 = tpu.memref_slice %arg10[%dma_start3A_62, %dma_start3A_63] : memref<10112x128xf32, #tpu.memory_space<vmem_shared>> -> memref<10112x128xf32, #tpu.memory_space<vmem_shared>>
        tpu.enqueue_indirect_dma source(%dma_start3A_58 : memref<128x128xf32, #tpu.memory_space<vmem>>) target(%dma_start3A_64 : memref<10112x128xf32, #tpu.memory_space<vmem_shared>>) offsets(%dma_start3A_61 : memref<128xi32, #tpu.memory_space<vmem>>) semaphore(%run_scoped3A_54 : memref<!tpu.dma_semaphore, #tpu.memory_space<semaphore_mem>>) {add = true}
        %dma_wait3A_65 = arith.constant 0 : i32
        %dma_wait3A_66 = arith.constant 0 : i32
        %dma_wait3A_67 = tpu.memref_slice %arg9[%run_scoped3A, %dma_wait3A_65, %dma_wait3A_66] : memref<1x128x128xf32, #tpu.memory_space<vmem>> -> memref<1x128x128xf32, #tpu.memory_space<vmem>>
        %dma_wait3A_68 = tpu.memref_squeeze %dma_wait3A_67 : memref<1x128x128xf32, #tpu.memory_space<vmem>> -> memref<128x128xf32, #tpu.memory_space<vmem>>
        %dma_wait3A_69 = arith.constant 0 : i32
        %dma_wait3A_70 = tpu.memref_slice %arg8[%while3A_27, %dma_wait3A_69] : memref<128x128xi32, #tpu.memory_space<vmem>> -> memref<1x128xi32, #tpu.memory_space<vmem>>
        %dma_wait3A_71 = tpu.memref_squeeze %dma_wait3A_70 : memref<1x128xi32, #tpu.memory_space<vmem>> -> memref<128xi32, #tpu.memory_space<vmem>>
        %dma_wait3A_72 = arith.constant 0 : i32
        %dma_wait3A_73 = arith.constant 0 : i32
        %dma_wait3A_74 = tpu.memref_slice %arg10[%dma_wait3A_72, %dma_wait3A_73] : memref<10112x128xf32, #tpu.memory_space<vmem_shared>> -> memref<10112x128xf32, #tpu.memory_space<vmem_shared>>
        tpu.wait_indirect_dma semaphore(%run_scoped3A_54 : memref<!tpu.dma_semaphore, #tpu.memory_space<semaphore_mem>>) src(%dma_wait3A_68 : memref<128x128xf32, #tpu.memory_space<vmem>>) dst(%dma_wait3A_74 : memref<10112x128xf32, #tpu.memory_space<vmem_shared>>)
        tpu.yield
      }) : () -> ()
    }
    %barrier3A_22 = arith.constant 0 : index
    tpu.barrier barrier_id(%barrier3A_22)
    %mul3A_23 = arith.constant 632 : i32
    %mul3A_24 = arith.muli %arg1, %mul3A_23 : i32
    %mul3A_25 = arith.constant 632 : i32
    %mul3A_26 = arith.muli %arg1, %mul3A_25 : i32
    "tpu.region"() ({
      %run_scoped3A = tpu.sem_alloc : memref<!tpu.dma_semaphore, #tpu.memory_space<semaphore_mem>>
      %dma_start3A = arith.constant 0 : i32
      %dma_start3A_27 = tpu.memref_slice %arg6[%arg0, %mul3A_26, %dma_start3A] : memref<2x10112x128xf32, #tpu.memory_space<hbm>> -> memref<1x632x128xf32, #tpu.memory_space<hbm>>
      %dma_start3A_28 = tpu.memref_squeeze %dma_start3A_27 : memref<1x632x128xf32, #tpu.memory_space<hbm>> -> memref<632x128xf32, #tpu.memory_space<hbm>>
      %dma_start3A_29 = arith.constant 0 : i32
      %dma_start3A_30 = tpu.memref_slice %arg10[%mul3A_24, %dma_start3A_29] : memref<10112x128xf32, #tpu.memory_space<vmem_shared>> -> memref<632x128xf32, #tpu.memory_space<vmem_shared>>
      tpu.enqueue_dma source(%dma_start3A_30 : memref<632x128xf32, #tpu.memory_space<vmem_shared>>) target(%dma_start3A_28 : memref<632x128xf32, #tpu.memory_space<hbm>>) target_semaphore(%run_scoped3A : memref<!tpu.dma_semaphore, #tpu.memory_space<semaphore_mem>>)
      %dma_wait3A = arith.constant 0 : i32
      %dma_wait3A_31 = tpu.memref_slice %arg6[%arg0, %mul3A_26, %dma_wait3A] : memref<2x10112x128xf32, #tpu.memory_space<hbm>> -> memref<1x632x128xf32, #tpu.memory_space<hbm>>
      %dma_wait3A_32 = tpu.memref_squeeze %dma_wait3A_31 : memref<1x632x128xf32, #tpu.memory_space<hbm>> -> memref<632x128xf32, #tpu.memory_space<hbm>>
      %dma_wait3A_33 = arith.constant 0 : i32
      %dma_wait3A_34 = tpu.memref_slice %arg10[%mul3A_24, %dma_wait3A_33] : memref<10112x128xf32, #tpu.memory_space<vmem_shared>> -> memref<632x128xf32, #tpu.memory_space<vmem_shared>>
      tpu.wait_dma2 semaphore(%run_scoped3A : memref<!tpu.dma_semaphore, #tpu.memory_space<semaphore_mem>>) src(%dma_wait3A_34 : memref<632x128xf32, #tpu.memory_space<vmem_shared>>) dst(%dma_wait3A_32 : memref<632x128xf32, #tpu.memory_space<hbm>>)
      tpu.yield
    }) : () -> ()
    return
  }
}

#map = affine_map<(d0, d1) -> (0, 0)>
#map1 = affine_map<(d0, d1) -> (0, 0, 0)>
module attributes {stable_mosaic.version = 14 : i64} {
  func.func @k(%arg0: i32, %arg1: i32, %arg2: memref<10000x128xf32, #tpu.memory_space<hbm>>, %arg3: memref<2560x128xi32, #tpu.memory_space<hbm>>, %arg4: memref<2560x128xi32, #tpu.memory_space<hbm>>, %arg5: memref<10112x128xf32, #tpu.memory_space<hbm>>, %arg6: memref<2x10112x128xf32, #tpu.memory_space<hbm>>, %arg7: memref<128x128xi32, #tpu.memory_space<vmem>>, %arg8: memref<128x128xi32, #tpu.memory_space<vmem>>, %arg9: memref<1x128x128xf32, #tpu.memory_space<vmem>>, %arg10: memref<10112x128xf32, #tpu.memory_space<vmem_shared>>, %arg11: memref<1x!tpu.dma_semaphore, #tpu.memory_space<semaphore_mem>>) attributes {dimension_semantics = [#tpu.dimension_semantics<core_parallel>, #tpu.dimension_semantics<subcore_parallel>], iteration_bounds = array<i64: 2, 16>, scalar_prefetch = 0 : i64, scratch_operands = 5 : i64, tpu.core_type = #tpu.core_type<sc_vector_subcore>, window_params = [{transform_indices = #map}, {transform_indices = #map}, {transform_indices = #map}, {transform_indices = #map}, {transform_indices = #map1}]} {
    %mul3A = arith.constant 632 : i32
    %mul3A_0 = arith.muli %arg1, %mul3A : i32
    %mul3A_1 = arith.constant 632 : i32
    %mul3A_2 = arith.muli %arg1, %mul3A_1 : i32
    "tpu.region"() ({
      %run_scoped3A = tpu.sem_alloc : memref<!tpu.dma_semaphore, #tpu.memory_space<semaphore_mem>>
      %dma_start3A = arith.constant 0 : i32
      %dma_start3A_27 = tpu.memref_slice %arg10[%mul3A_2, %dma_start3A] : memref<10112x128xf32, #tpu.memory_space<vmem_shared>> -> memref<632x128xf32, #tpu.memory_space<vmem_shared>>
      %dma_start3A_28 = arith.constant 0 : i32
      %dma_start3A_29 = tpu.memref_slice %arg5[%mul3A_0, %dma_start3A_28] : memref<10112x128xf32, #tpu.memory_space<hbm>> -> memref<632x128xf32, #tpu.memory_space<hbm>>
      tpu.enqueue_dma source(%dma_start3A_29 : memref<632x128xf32, #tpu.memory_space<hbm>>) target(%dma_start3A_27 : memref<632x128xf32, #tpu.memory_space<vmem_shared>>) target_semaphore(%run_scoped3A : memref<!tpu.dma_semaphore, #tpu.memory_space<semaphore_mem>>)
      %dma_wait3A = arith.constant 0 : i32
      %dma_wait3A_30 = tpu.memref_slice %arg10[%mul3A_2, %dma_wait3A] : memref<10112x128xf32, #tpu.memory_space<vmem_shared>> -> memref<632x128xf32, #tpu.memory_space<vmem_shared>>
      %dma_wait3A_31 = arith.constant 0 : i32
      %dma_wait3A_32 = tpu.memref_slice %arg5[%mul3A_0, %dma_wait3A_31] : memref<10112x128xf32, #tpu.memory_space<hbm>> -> memref<632x128xf32, #tpu.memory_space<hbm>>
      tpu.wait_dma2 semaphore(%run_scoped3A : memref<!tpu.dma_semaphore, #tpu.memory_space<semaphore_mem>>) src(%dma_wait3A_32 : memref<632x128xf32, #tpu.memory_space<hbm>>) dst(%dma_wait3A_30 : memref<632x128xf32, #tpu.memory_space<vmem_shared>>)
      tpu.yield
    }) : () -> ()
    %barrier3A = arith.constant 0 : index
    tpu.barrier barrier_id(%barrier3A)
    %eq3A = arith.constant 0 : i32
    %eq3A_3 = arith.cmpi eq, %arg0, %eq3A : i32
    %convert_element_type3A = arith.extui %eq3A_3 : i1 to i32
    %cond3A = arith.constant 0 : i32
    %cond3A_4 = arith.cmpi ne, %convert_element_type3A, %cond3A : i32
    scf.if %cond3A_4 {
      %mul3A_27 = arith.constant 128 : i32
      %mul3A_28 = arith.muli %arg1, %mul3A_27 : i32
      "tpu.region"() ({
        %run_scoped3A = tpu.sem_alloc : memref<!tpu.dma_semaphore, #tpu.memory_space<semaphore_mem>>
        %dma_start3A = arith.constant 0 : i32
        %dma_start3A_31 = tpu.memref_slice %arg3[%mul3A_28, %dma_start3A] : memref<2560x128xi32, #tpu.memory_space<hbm>> -> memref<128x128xi32, #tpu.memory_space<hbm>>
        %dma_start3A_32 = arith.constant 0 : i32
        %dma_start3A_33 = tpu.memref_slice %arg3[%mul3A_28, %dma_start3A_32] : memref<2560x128xi32, #tpu.memory_space<hbm>> -> memref<128x128xi32, #tpu.memory_space<hbm>>
        tpu.enqueue_dma source(%dma_start3A_33 : memref<128x128xi32, #tpu.memory_space<hbm>>) target(%arg7 : memref<128x128xi32, #tpu.memory_space<vmem>>) target_semaphore(%run_scoped3A : memref<!tpu.dma_semaphore, #tpu.memory_space<semaphore_mem>>)
        %dma_wait3A = arith.constant 0 : i32
        %dma_wait3A_34 = tpu.memref_slice %arg3[%mul3A_28, %dma_wait3A] : memref<2560x128xi32, #tpu.memory_space<hbm>> -> memref<128x128xi32, #tpu.memory_space<hbm>>
        %dma_wait3A_35 = arith.constant 0 : i32
        %dma_wait3A_36 = tpu.memref_slice %arg3[%mul3A_28, %dma_wait3A_35] : memref<2560x128xi32, #tpu.memory_space<hbm>> -> memref<128x128xi32, #tpu.memory_space<hbm>>
        tpu.wait_dma2 semaphore(%run_scoped3A : memref<!tpu.dma_semaphore, #tpu.memory_space<semaphore_mem>>) src(%dma_wait3A_36 : memref<128x128xi32, #tpu.memory_space<hbm>>) dst(%arg7 : memref<128x128xi32, #tpu.memory_space<vmem>>)
        tpu.yield
      }) : () -> ()
      %mul3A_29 = arith.constant 128 : i32
      %mul3A_30 = arith.muli %arg1, %mul3A_29 : i32
      "tpu.region"() ({
        %run_scoped3A = tpu.sem_alloc : memref<!tpu.dma_semaphore, #tpu.memory_space<semaphore_mem>>
        %dma_start3A = arith.constant 0 : i32
        %dma_start3A_31 = tpu.memref_slice %arg4[%mul3A_30, %dma_start3A] : memref<2560x128xi32, #tpu.memory_space<hbm>> -> memref<128x128xi32, #tpu.memory_space<hbm>>
        %dma_start3A_32 = arith.constant 0 : i32
        %dma_start3A_33 = tpu.memref_slice %arg4[%mul3A_30, %dma_start3A_32] : memref<2560x128xi32, #tpu.memory_space<hbm>> -> memref<128x128xi32, #tpu.memory_space<hbm>>
        tpu.enqueue_dma source(%dma_start3A_33 : memref<128x128xi32, #tpu.memory_space<hbm>>) target(%arg8 : memref<128x128xi32, #tpu.memory_space<vmem>>) target_semaphore(%run_scoped3A : memref<!tpu.dma_semaphore, #tpu.memory_space<semaphore_mem>>)
        %dma_wait3A = arith.constant 0 : i32
        %dma_wait3A_34 = tpu.memref_slice %arg4[%mul3A_30, %dma_wait3A] : memref<2560x128xi32, #tpu.memory_space<hbm>> -> memref<128x128xi32, #tpu.memory_space<hbm>>
        %dma_wait3A_35 = arith.constant 0 : i32
        %dma_wait3A_36 = tpu.memref_slice %arg4[%mul3A_30, %dma_wait3A_35] : memref<2560x128xi32, #tpu.memory_space<hbm>> -> memref<128x128xi32, #tpu.memory_space<hbm>>
        tpu.wait_dma2 semaphore(%run_scoped3A : memref<!tpu.dma_semaphore, #tpu.memory_space<semaphore_mem>>) src(%dma_wait3A_36 : memref<128x128xi32, #tpu.memory_space<hbm>>) dst(%arg8 : memref<128x128xi32, #tpu.memory_space<vmem>>)
        tpu.yield
      }) : () -> ()
    } else {
    }
    %eq3A_5 = arith.constant 1 : i32
    %eq3A_6 = arith.cmpi eq, %arg0, %eq3A_5 : i32
    %convert_element_type3A_7 = arith.extui %eq3A_6 : i1 to i32
    %cond3A_8 = arith.constant 0 : i32
    %cond3A_9 = arith.cmpi ne, %convert_element_type3A_7, %cond3A_8 : i32
    scf.if %cond3A_9 {
      %mul3A_27 = arith.constant 32 : i32
      %mul3A_28 = arith.muli %arg1, %mul3A_27 : i32
      %add3A = arith.constant 2048 : i32
      %add3A_29 = arith.addi %add3A, %mul3A_28 : i32
      "tpu.region"() ({
        %run_scoped3A = tpu.sem_alloc : memref<!tpu.dma_semaphore, #tpu.memory_space<semaphore_mem>>
        %dma_start3A = arith.constant 0 : i32
        %dma_start3A_34 = arith.constant 0 : i32
        %dma_start3A_35 = tpu.memref_slice %arg7[%dma_start3A, %dma_start3A_34] : memref<128x128xi32, #tpu.memory_space<vmem>> -> memref<32x128xi32, #tpu.memory_space<vmem>>
        %dma_start3A_36 = arith.constant 0 : i32
        %dma_start3A_37 = tpu.memref_slice %arg3[%add3A_29, %dma_start3A_36] : memref<2560x128xi32, #tpu.memory_space<hbm>> -> memref<32x128xi32, #tpu.memory_space<hbm>>
        %dma_start3A_38 = arith.constant 0 : i32
        %dma_start3A_39 = arith.constant 0 : i32
        %dma_start3A_40 = tpu.memref_slice %arg7[%dma_start3A_38, %dma_start3A_39] : memref<128x128xi32, #tpu.memory_space<vmem>> -> memref<32x128xi32, #tpu.memory_space<vmem>>
        %dma_start3A_41 = arith.constant 0 : i32
        %dma_start3A_42 = tpu.memref_slice %arg3[%add3A_29, %dma_start3A_41] : memref<2560x128xi32, #tpu.memory_space<hbm>> -> memref<32x128xi32, #tpu.memory_space<hbm>>
        tpu.enqueue_dma source(%dma_start3A_42 : memref<32x128xi32, #tpu.memory_space<hbm>>) target(%dma_start3A_40 : memref<32x128xi32, #tpu.memory_space<vmem>>) target_semaphore(%run_scoped3A : memref<!tpu.dma_semaphore, #tpu.memory_space<semaphore_mem>>)
        %dma_wait3A = arith.constant 0 : i32
        %dma_wait3A_43 = arith.constant 0 : i32
        %dma_wait3A_44 = tpu.memref_slice %arg7[%dma_wait3A, %dma_wait3A_43] : memref<128x128xi32, #tpu.memory_space<vmem>> -> memref<32x128xi32, #tpu.memory_space<vmem>>
        %dma_wait3A_45 = arith.constant 0 : i32
        %dma_wait3A_46 = tpu.memref_slice %arg3[%add3A_29, %dma_wait3A_45] : memref<2560x128xi32, #tpu.memory_space<hbm>> -> memref<32x128xi32, #tpu.memory_space<hbm>>
        %dma_wait3A_47 = arith.constant 0 : i32
        %dma_wait3A_48 = arith.constant 0 : i32
        %dma_wait3A_49 = tpu.memref_slice %arg7[%dma_wait3A_47, %dma_wait3A_48] : memref<128x128xi32, #tpu.memory_space<vmem>> -> memref<32x128xi32, #tpu.memory_space<vmem>>
        %dma_wait3A_50 = arith.constant 0 : i32
        %dma_wait3A_51 = tpu.memref_slice %arg3[%add3A_29, %dma_wait3A_50] : memref<2560x128xi32, #tpu.memory_space<hbm>> -> memref<32x128xi32, #tpu.memory_space<hbm>>
        tpu.wait_dma2 semaphore(%run_scoped3A : memref<!tpu.dma_semaphore, #tpu.memory_space<semaphore_mem>>) src(%dma_wait3A_51 : memref<32x128xi32, #tpu.memory_space<hbm>>) dst(%dma_wait3A_49 : memref<32x128xi32, #tpu.memory_space<vmem>>)
        tpu.yield
      }) : () -> ()
      %mul3A_30 = arith.constant 32 : i32
      %mul3A_31 = arith.muli %arg1, %mul3A_30 : i32
      %add3A_32 = arith.constant 2048 : i32
      %add3A_33 = arith.addi %add3A_32, %mul3A_31 : i32
      "tpu.region"() ({
        %run_scoped3A = tpu.sem_alloc : memref<!tpu.dma_semaphore, #tpu.memory_space<semaphore_mem>>
        %dma_start3A = arith.constant 0 : i32
        %dma_start3A_34 = arith.constant 0 : i32
        %dma_start3A_35 = tpu.memref_slice %arg8[%dma_start3A, %dma_start3A_34] : memref<128x128xi32, #tpu.memory_space<vmem>> -> memref<32x128xi32, #tpu.memory_space<vmem>>
        %dma_start3A_36 = arith.constant 0 : i32
        %dma_start3A_37 = tpu.memref_slice %arg4[%add3A_33, %dma_start3A_36] : memref<2560x128xi32, #tpu.memory_space<hbm>> -> memref<32x128xi32, #tpu.memory_space<hbm>>
        %dma_start3A_38 = arith.constant 0 : i32
        %dma_start3A_39 = arith.constant 0 : i32
        %dma_start3A_40 = tpu.memref_slice %arg8[%dma_start3A_38, %dma_start3A_39] : memref<128x128xi32, #tpu.memory_space<vmem>> -> memref<32x128xi32, #tpu.memory_space<vmem>>
        %dma_start3A_41 = arith.constant 0 : i32
        %dma_start3A_42 = tpu.memref_slice %arg4[%add3A_33, %dma_start3A_41] : memref<2560x128xi32, #tpu.memory_space<hbm>> -> memref<32x128xi32, #tpu.memory_space<hbm>>
        tpu.enqueue_dma source(%dma_start3A_42 : memref<32x128xi32, #tpu.memory_space<hbm>>) target(%dma_start3A_40 : memref<32x128xi32, #tpu.memory_space<vmem>>) target_semaphore(%run_scoped3A : memref<!tpu.dma_semaphore, #tpu.memory_space<semaphore_mem>>)
        %dma_wait3A = arith.constant 0 : i32
        %dma_wait3A_43 = arith.constant 0 : i32
        %dma_wait3A_44 = tpu.memref_slice %arg8[%dma_wait3A, %dma_wait3A_43] : memref<128x128xi32, #tpu.memory_space<vmem>> -> memref<32x128xi32, #tpu.memory_space<vmem>>
        %dma_wait3A_45 = arith.constant 0 : i32
        %dma_wait3A_46 = tpu.memref_slice %arg4[%add3A_33, %dma_wait3A_45] : memref<2560x128xi32, #tpu.memory_space<hbm>> -> memref<32x128xi32, #tpu.memory_space<hbm>>
        %dma_wait3A_47 = arith.constant 0 : i32
        %dma_wait3A_48 = arith.constant 0 : i32
        %dma_wait3A_49 = tpu.memref_slice %arg8[%dma_wait3A_47, %dma_wait3A_48] : memref<128x128xi32, #tpu.memory_space<vmem>> -> memref<32x128xi32, #tpu.memory_space<vmem>>
        %dma_wait3A_50 = arith.constant 0 : i32
        %dma_wait3A_51 = tpu.memref_slice %arg4[%add3A_33, %dma_wait3A_50] : memref<2560x128xi32, #tpu.memory_space<hbm>> -> memref<32x128xi32, #tpu.memory_space<hbm>>
        tpu.wait_dma2 semaphore(%run_scoped3A : memref<!tpu.dma_semaphore, #tpu.memory_space<semaphore_mem>>) src(%dma_wait3A_51 : memref<32x128xi32, #tpu.memory_space<hbm>>) dst(%dma_wait3A_49 : memref<32x128xi32, #tpu.memory_space<vmem>>)
        tpu.yield
      }) : () -> ()
    } else {
    }
    %eq3A_10 = arith.constant 0 : i32
    %eq3A_11 = arith.cmpi eq, %arg0, %eq3A_10 : i32
    %jit3A = arith.constant 128 : i32
    %jit3A_12 = arith.constant 32 : i32
    %select_n3A = arith.select %eq3A_11, %jit3A, %jit3A_12 : i32
    %while3A = arith.constant 0 : i32
    %while3A_13 = arith.constant 0 : i32
    %while3A_14 = arith.subi %select_n3A, %while3A_13 : i32
    %while3A_15 = arith.addi %while3A_13, %while3A_14 : i32
    %while3A_16 = arith.constant 1 : i32
    %while3A_17 = arith.divsi %while3A_14, %while3A_16 : i32
    %while3A_18 = arith.muli %while3A_17, %while3A_16 : i32
    %while3A_19 = arith.addi %while3A_13, %while3A_18 : i32
    %while3A_20 = arith.constant 1 : i32
    scf.for %while3A_27 = %while3A_13 to %while3A_19 step %while3A_20  : i32 {
      %dma_start3A = arith.constant 0 : i32
      %dma_start3A_28 = arith.constant 0 : i32
      %dma_start3A_29 = arith.constant 0 : i32
      %dma_start3A_30 = arith.constant 0 : i32
      %dma_start3A_31 = tpu.memref_slice %arg9[%dma_start3A, %dma_start3A_29, %dma_start3A_30] : memref<1x128x128xf32, #tpu.memory_space<vmem>> -> memref<1x128x128xf32, #tpu.memory_space<vmem>>
      %dma_start3A_32 = tpu.memref_squeeze %dma_start3A_31 : memref<1x128x128xf32, #tpu.memory_space<vmem>> -> memref<128x128xf32, #tpu.memory_space<vmem>>
      %dma_start3A_33 = arith.constant 0 : i32
      %dma_start3A_34 = tpu.memref_slice %arg7[%while3A_27, %dma_start3A_33] : memref<128x128xi32, #tpu.memory_space<vmem>> -> memref<1x128xi32, #tpu.memory_space<vmem>>
      %dma_start3A_35 = tpu.memref_squeeze %dma_start3A_34 : memref<1x128xi32, #tpu.memory_space<vmem>> -> memref<128xi32, #tpu.memory_space<vmem>>
      %dma_start3A_36 = arith.constant 0 : i32
      %dma_start3A_37 = arith.constant 0 : i32
      %dma_start3A_38 = tpu.memref_slice %arg2[%dma_start3A_36, %dma_start3A_37] : memref<10000x128xf32, #tpu.memory_space<hbm>> -> memref<10000x128xf32, #tpu.memory_space<hbm>>
      %dma_start3A_39 = tpu.memref_slice %arg11[%dma_start3A_28] : memref<1x!tpu.dma_semaphore, #tpu.memory_space<semaphore_mem>> -> memref<1x!tpu.dma_semaphore, #tpu.memory_space<semaphore_mem>>
      %dma_start3A_40 = tpu.memref_squeeze %dma_start3A_39 : memref<1x!tpu.dma_semaphore, #tpu.memory_space<semaphore_mem>> -> memref<!tpu.dma_semaphore, #tpu.memory_space<semaphore_mem>>
      tpu.enqueue_indirect_dma source(%dma_start3A_38 : memref<10000x128xf32, #tpu.memory_space<hbm>>) target(%dma_start3A_32 : memref<128x128xf32, #tpu.memory_space<vmem>>) offsets(%dma_start3A_35 : memref<128xi32, #tpu.memory_space<vmem>>) semaphore(%dma_start3A_40 : memref<!tpu.dma_semaphore, #tpu.memory_space<semaphore_mem>>)
      %dma_wait3A = arith.constant 0 : i32
      %dma_wait3A_41 = arith.constant 0 : i32
      %dma_wait3A_42 = arith.constant 0 : i32
      %dma_wait3A_43 = arith.constant 0 : i32
      %dma_wait3A_44 = tpu.memref_slice %arg9[%dma_wait3A, %dma_wait3A_42, %dma_wait3A_43] : memref<1x128x128xf32, #tpu.memory_space<vmem>> -> memref<1x128x128xf32, #tpu.memory_space<vmem>>
      %dma_wait3A_45 = tpu.memref_squeeze %dma_wait3A_44 : memref<1x128x128xf32, #tpu.memory_space<vmem>> -> memref<128x128xf32, #tpu.memory_space<vmem>>
      %dma_wait3A_46 = arith.constant 0 : i32
      %dma_wait3A_47 = tpu.memref_slice %arg7[%while3A_27, %dma_wait3A_46] : memref<128x128xi32, #tpu.memory_space<vmem>> -> memref<1x128xi32, #tpu.memory_space<vmem>>
      %dma_wait3A_48 = tpu.memref_squeeze %dma_wait3A_47 : memref<1x128xi32, #tpu.memory_space<vmem>> -> memref<128xi32, #tpu.memory_space<vmem>>
      %dma_wait3A_49 = arith.constant 0 : i32
      %dma_wait3A_50 = arith.constant 0 : i32
      %dma_wait3A_51 = tpu.memref_slice %arg2[%dma_wait3A_49, %dma_wait3A_50] : memref<10000x128xf32, #tpu.memory_space<hbm>> -> memref<10000x128xf32, #tpu.memory_space<hbm>>
      %dma_wait3A_52 = tpu.memref_slice %arg11[%dma_wait3A_41] : memref<1x!tpu.dma_semaphore, #tpu.memory_space<semaphore_mem>> -> memref<1x!tpu.dma_semaphore, #tpu.memory_space<semaphore_mem>>
      %dma_wait3A_53 = tpu.memref_squeeze %dma_wait3A_52 : memref<1x!tpu.dma_semaphore, #tpu.memory_space<semaphore_mem>> -> memref<!tpu.dma_semaphore, #tpu.memory_space<semaphore_mem>>
      tpu.wait_indirect_dma semaphore(%dma_wait3A_53 : memref<!tpu.dma_semaphore, #tpu.memory_space<semaphore_mem>>) src(%dma_wait3A_51 : memref<10000x128xf32, #tpu.memory_space<hbm>>) dst(%dma_wait3A_45 : memref<128x128xf32, #tpu.memory_space<vmem>>)
      %run_scoped3A = arith.constant 0 : i32
      "tpu.region"() ({
        %run_scoped3A_54 = tpu.sem_alloc : memref<!tpu.dma_semaphore, #tpu.memory_space<semaphore_mem>>
        %dma_start3A_55 = arith.constant 0 : i32
        %dma_start3A_56 = arith.constant 0 : i32
        %dma_start3A_57 = tpu.memref_slice %arg9[%run_scoped3A, %dma_start3A_55, %dma_start3A_56] : memref<1x128x128xf32, #tpu.memory_space<vmem>> -> memref<1x128x128xf32, #tpu.memory_space<vmem>>
        %dma_start3A_58 = tpu.memref_squeeze %dma_start3A_57 : memref<1x128x128xf32, #tpu.memory_space<vmem>> -> memref<128x128xf32, #tpu.memory_space<vmem>>
        %dma_start3A_59 = arith.constant 0 : i32
        %dma_start3A_60 = tpu.memref_slice %arg8[%while3A_27, %dma_start3A_59] : memref<128x128xi32, #tpu.memory_space<vmem>> -> memref<1x128xi32, #tpu.memory_space<vmem>>
        %dma_start3A_61 = tpu.memref_squeeze %dma_start3A_60 : memref<1x128xi32, #tpu.memory_space<vmem>> -> memref<128xi32, #tpu.memory_space<vmem>>
        %dma_start3A_62 = arith.constant 0 : i32
        %dma_start3A_63 = arith.constant 0 : i32
        %dma_start3A_64 = tpu.memref_slice %arg10[%dma_start3A_62, %dma_start3A_63] : memref<10112x128xf32, #tpu.memory_space<vmem_shared>> -> memref<10112x128xf32, #tpu.memory_space<vmem_shared>>
        tpu.enqueue_indirect_dma source(%dma_start3A_58 : memref<128x128xf32, #tpu.memory_space<vmem>>) target(%dma_start3A_64 : memref<10112x128xf32, #tpu.memory_space<vmem_shared>>) offsets(%dma_start3A_61 : memref<128xi32, #tpu.memory_space<vmem>>) semaphore(%run_scoped3A_54 : memref<!tpu.dma_semaphore, #tpu.memory_space<semaphore_mem>>) {add = true}
        %dma_wait3A_65 = arith.constant 0 : i32
        %dma_wait3A_66 = arith.constant 0 : i32
        %dma_wait3A_67 = tpu.memref_slice %arg9[%run_scoped3A, %dma_wait3A_65, %dma_wait3A_66] : memref<1x128x128xf32, #tpu.memory_space<vmem>> -> memref<1x128x128xf32, #tpu.memory_space<vmem>>
        %dma_wait3A_68 = tpu.memref_squeeze %dma_wait3A_67 : memref<1x128x128xf32, #tpu.memory_space<vmem>> -> memref<128x128xf32, #tpu.memory_space<vmem>>
        %dma_wait3A_69 = arith.constant 0 : i32
        %dma_wait3A_70 = tpu.memref_slice %arg8[%while3A_27, %dma_wait3A_69] : memref<128x128xi32, #tpu.memory_space<vmem>> -> memref<1x128xi32, #tpu.memory_space<vmem>>
        %dma_wait3A_71 = tpu.memref_squeeze %dma_wait3A_70 : memref<1x128xi32, #tpu.memory_space<vmem>> -> memref<128xi32, #tpu.memory_space<vmem>>
        %dma_wait3A_72 = arith.constant 0 : i32
        %dma_wait3A_73 = arith.constant 0 : i32
        %dma_wait3A_74 = tpu.memref_slice %arg10[%dma_wait3A_72, %dma_wait3A_73] : memref<10112x128xf32, #tpu.memory_space<vmem_shared>> -> memref<10112x128xf32, #tpu.memory_space<vmem_shared>>
        tpu.wait_indirect_dma semaphore(%run_scoped3A_54 : memref<!tpu.dma_semaphore, #tpu.memory_space<semaphore_mem>>) src(%dma_wait3A_68 : memref<128x128xf32, #tpu.memory_space<vmem>>) dst(%dma_wait3A_74 : memref<10112x128xf32, #tpu.memory_space<vmem_shared>>)
        tpu.yield
      }) : () -> ()
    }
    %while3A_21 = arith.constant 1 : i32
    scf.for %while3A_27 = %while3A_19 to %while3A_15 step %while3A_21  : i32 {
      %dma_start3A = arith.constant 0 : i32
      %dma_start3A_28 = arith.constant 0 : i32
      %dma_start3A_29 = arith.constant 0 : i32
      %dma_start3A_30 = arith.constant 0 : i32
      %dma_start3A_31 = tpu.memref_slice %arg9[%dma_start3A, %dma_start3A_29, %dma_start3A_30] : memref<1x128x128xf32, #tpu.memory_space<vmem>> -> memref<1x128x128xf32, #tpu.memory_space<vmem>>
      %dma_start3A_32 = tpu.memref_squeeze %dma_start3A_31 : memref<1x128x128xf32, #tpu.memory_space<vmem>> -> memref<128x128xf32, #tpu.memory_space<vmem>>
      %dma_start3A_33 = arith.constant 0 : i32
      %dma_start3A_34 = tpu.memref_slice %arg7[%while3A_27, %dma_start3A_33] : memref<128x128xi32, #tpu.memory_space<vmem>> -> memref<1x128xi32, #tpu.memory_space<vmem>>
      %dma_start3A_35 = tpu.memref_squeeze %dma_start3A_34 : memref<1x128xi32, #tpu.memory_space<vmem>> -> memref<128xi32, #tpu.memory_space<vmem>>
      %dma_start3A_36 = arith.constant 0 : i32
      %dma_start3A_37 = arith.constant 0 : i32
      %dma_start3A_38 = tpu.memref_slice %arg2[%dma_start3A_36, %dma_start3A_37] : memref<10000x128xf32, #tpu.memory_space<hbm>> -> memref<10000x128xf32, #tpu.memory_space<hbm>>
      %dma_start3A_39 = tpu.memref_slice %arg11[%dma_start3A_28] : memref<1x!tpu.dma_semaphore, #tpu.memory_space<semaphore_mem>> -> memref<1x!tpu.dma_semaphore, #tpu.memory_space<semaphore_mem>>
      %dma_start3A_40 = tpu.memref_squeeze %dma_start3A_39 : memref<1x!tpu.dma_semaphore, #tpu.memory_space<semaphore_mem>> -> memref<!tpu.dma_semaphore, #tpu.memory_space<semaphore_mem>>
      tpu.enqueue_indirect_dma source(%dma_start3A_38 : memref<10000x128xf32, #tpu.memory_space<hbm>>) target(%dma_start3A_32 : memref<128x128xf32, #tpu.memory_space<vmem>>) offsets(%dma_start3A_35 : memref<128xi32, #tpu.memory_space<vmem>>) semaphore(%dma_start3A_40 : memref<!tpu.dma_semaphore, #tpu.memory_space<semaphore_mem>>)
      %dma_wait3A = arith.constant 0 : i32
      %dma_wait3A_41 = arith.constant 0 : i32
      %dma_wait3A_42 = arith.constant 0 : i32
      %dma_wait3A_43 = arith.constant 0 : i32
      %dma_wait3A_44 = tpu.memref_slice %arg9[%dma_wait3A, %dma_wait3A_42, %dma_wait3A_43] : memref<1x128x128xf32, #tpu.memory_space<vmem>> -> memref<1x128x128xf32, #tpu.memory_space<vmem>>
      %dma_wait3A_45 = tpu.memref_squeeze %dma_wait3A_44 : memref<1x128x128xf32, #tpu.memory_space<vmem>> -> memref<128x128xf32, #tpu.memory_space<vmem>>
      %dma_wait3A_46 = arith.constant 0 : i32
      %dma_wait3A_47 = tpu.memref_slice %arg7[%while3A_27, %dma_wait3A_46] : memref<128x128xi32, #tpu.memory_space<vmem>> -> memref<1x128xi32, #tpu.memory_space<vmem>>
      %dma_wait3A_48 = tpu.memref_squeeze %dma_wait3A_47 : memref<1x128xi32, #tpu.memory_space<vmem>> -> memref<128xi32, #tpu.memory_space<vmem>>
      %dma_wait3A_49 = arith.constant 0 : i32
      %dma_wait3A_50 = arith.constant 0 : i32
      %dma_wait3A_51 = tpu.memref_slice %arg2[%dma_wait3A_49, %dma_wait3A_50] : memref<10000x128xf32, #tpu.memory_space<hbm>> -> memref<10000x128xf32, #tpu.memory_space<hbm>>
      %dma_wait3A_52 = tpu.memref_slice %arg11[%dma_wait3A_41] : memref<1x!tpu.dma_semaphore, #tpu.memory_space<semaphore_mem>> -> memref<1x!tpu.dma_semaphore, #tpu.memory_space<semaphore_mem>>
      %dma_wait3A_53 = tpu.memref_squeeze %dma_wait3A_52 : memref<1x!tpu.dma_semaphore, #tpu.memory_space<semaphore_mem>> -> memref<!tpu.dma_semaphore, #tpu.memory_space<semaphore_mem>>
      tpu.wait_indirect_dma semaphore(%dma_wait3A_53 : memref<!tpu.dma_semaphore, #tpu.memory_space<semaphore_mem>>) src(%dma_wait3A_51 : memref<10000x128xf32, #tpu.memory_space<hbm>>) dst(%dma_wait3A_45 : memref<128x128xf32, #tpu.memory_space<vmem>>)
      %run_scoped3A = arith.constant 0 : i32
      "tpu.region"() ({
        %run_scoped3A_54 = tpu.sem_alloc : memref<!tpu.dma_semaphore, #tpu.memory_space<semaphore_mem>>
        %dma_start3A_55 = arith.constant 0 : i32
        %dma_start3A_56 = arith.constant 0 : i32
        %dma_start3A_57 = tpu.memref_slice %arg9[%run_scoped3A, %dma_start3A_55, %dma_start3A_56] : memref<1x128x128xf32, #tpu.memory_space<vmem>> -> memref<1x128x128xf32, #tpu.memory_space<vmem>>
        %dma_start3A_58 = tpu.memref_squeeze %dma_start3A_57 : memref<1x128x128xf32, #tpu.memory_space<vmem>> -> memref<128x128xf32, #tpu.memory_space<vmem>>
        %dma_start3A_59 = arith.constant 0 : i32
        %dma_start3A_60 = tpu.memref_slice %arg8[%while3A_27, %dma_start3A_59] : memref<128x128xi32, #tpu.memory_space<vmem>> -> memref<1x128xi32, #tpu.memory_space<vmem>>
        %dma_start3A_61 = tpu.memref_squeeze %dma_start3A_60 : memref<1x128xi32, #tpu.memory_space<vmem>> -> memref<128xi32, #tpu.memory_space<vmem>>
        %dma_start3A_62 = arith.constant 0 : i32
        %dma_start3A_63 = arith.constant 0 : i32
        %dma_start3A_64 = tpu.memref_slice %arg10[%dma_start3A_62, %dma_start3A_63] : memref<10112x128xf32, #tpu.memory_space<vmem_shared>> -> memref<10112x128xf32, #tpu.memory_space<vmem_shared>>
        tpu.enqueue_indirect_dma source(%dma_start3A_58 : memref<128x128xf32, #tpu.memory_space<vmem>>) target(%dma_start3A_64 : memref<10112x128xf32, #tpu.memory_space<vmem_shared>>) offsets(%dma_start3A_61 : memref<128xi32, #tpu.memory_space<vmem>>) semaphore(%run_scoped3A_54 : memref<!tpu.dma_semaphore, #tpu.memory_space<semaphore_mem>>) {add = true}
        %dma_wait3A_65 = arith.constant 0 : i32
        %dma_wait3A_66 = arith.constant 0 : i32
        %dma_wait3A_67 = tpu.memref_slice %arg9[%run_scoped3A, %dma_wait3A_65, %dma_wait3A_66] : memref<1x128x128xf32, #tpu.memory_space<vmem>> -> memref<1x128x128xf32, #tpu.memory_space<vmem>>
        %dma_wait3A_68 = tpu.memref_squeeze %dma_wait3A_67 : memref<1x128x128xf32, #tpu.memory_space<vmem>> -> memref<128x128xf32, #tpu.memory_space<vmem>>
        %dma_wait3A_69 = arith.constant 0 : i32
        %dma_wait3A_70 = tpu.memref_slice %arg8[%while3A_27, %dma_wait3A_69] : memref<128x128xi32, #tpu.memory_space<vmem>> -> memref<1x128xi32, #tpu.memory_space<vmem>>
        %dma_wait3A_71 = tpu.memref_squeeze %dma_wait3A_70 : memref<1x128xi32, #tpu.memory_space<vmem>> -> memref<128xi32, #tpu.memory_space<vmem>>
        %dma_wait3A_72 = arith.constant 0 : i32
        %dma_wait3A_73 = arith.constant 0 : i32
        %dma_wait3A_74 = tpu.memref_slice %arg10[%dma_wait3A_72, %dma_wait3A_73] : memref<10112x128xf32, #tpu.memory_space<vmem_shared>> -> memref<10112x128xf32, #tpu.memory_space<vmem_shared>>
        tpu.wait_indirect_dma semaphore(%run_scoped3A_54 : memref<!tpu.dma_semaphore, #tpu.memory_space<semaphore_mem>>) src(%dma_wait3A_68 : memref<128x128xf32, #tpu.memory_space<vmem>>) dst(%dma_wait3A_74 : memref<10112x128xf32, #tpu.memory_space<vmem_shared>>)
        tpu.yield
      }) : () -> ()
    }
    %barrier3A_22 = arith.constant 0 : index
    tpu.barrier barrier_id(%barrier3A_22)
    %mul3A_23 = arith.constant 632 : i32
    %mul3A_24 = arith.muli %arg1, %mul3A_23 : i32
    %mul3A_25 = arith.constant 632 : i32
    %mul3A_26 = arith.muli %arg1, %mul3A_25 : i32
    "tpu.region"() ({
      %run_scoped3A = tpu.sem_alloc : memref<!tpu.dma_semaphore, #tpu.memory_space<semaphore_mem>>
      %dma_start3A = arith.constant 0 : i32
      %dma_start3A_27 = tpu.memref_slice %arg6[%arg0, %mul3A_26, %dma_start3A] : memref<2x10112x128xf32, #tpu.memory_space<hbm>> -> memref<1x632x128xf32, #tpu.memory_space<hbm>>
      %dma_start3A_28 = tpu.memref_squeeze %dma_start3A_27 : memref<1x632x128xf32, #tpu.memory_space<hbm>> -> memref<632x128xf32, #tpu.memory_space<hbm>>
      %dma_start3A_29 = arith.constant 0 : i32
      %dma_start3A_30 = tpu.memref_slice %arg10[%mul3A_24, %dma_start3A_29] : memref<10112x128xf32, #tpu.memory_space<vmem_shared>> -> memref<632x128xf32, #tpu.memory_space<vmem_shared>>
      tpu.enqueue_dma source(%dma_start3A_30 : memref<632x128xf32, #tpu.memory_space<vmem_shared>>) target(%dma_start3A_28 : memref<632x128xf32, #tpu.memory_space<hbm>>) target_semaphore(%run_scoped3A : memref<!tpu.dma_semaphore, #tpu.memory_space<semaphore_mem>>)
      %dma_wait3A = arith.constant 0 : i32
      %dma_wait3A_31 = tpu.memref_slice %arg6[%arg0, %mul3A_26, %dma_wait3A] : memref<2x10112x128xf32, #tpu.memory_space<hbm>> -> memref<1x632x128xf32, #tpu.memory_space<hbm>>
      %dma_wait3A_32 = tpu.memref_squeeze %dma_wait3A_31 : memref<1x632x128xf32, #tpu.memory_space<hbm>> -> memref<632x128xf32, #tpu.memory_space<hbm>>
      %dma_wait3A_33 = arith.constant 0 : i32
      %dma_wait3A_34 = tpu.memref_slice %arg10[%mul3A_24, %dma_wait3A_33] : memref<10112x128xf32, #tpu.memory_space<vmem_shared>> -> memref<632x128xf32, #tpu.memory_space<vmem_shared>>
      tpu.wait_dma2 semaphore(%run_scoped3A : memref<!tpu.dma_semaphore, #tpu.memory_space<semaphore_mem>>) src(%dma_wait3A_34 : memref<632x128xf32, #tpu.memory_space<vmem_shared>>) dst(%dma_wait3A_32 : memref<632x128xf32, #tpu.memory_space<hbm>>)
      tpu.yield
    }) : () -> ()
    return
  }
}

module attributes {stable_mosaic.version = 14 : i64} {
  func.func @body(%arg0: i32, %arg1: memref<1000x128xf32, #tpu.memory_space<vmem>>, %arg2: memref<1x1000x128xf32, #tpu.memory_space<vmem>>, %arg3: memref<1x1000x128xf32, #tpu.memory_space<vmem>>, %arg4: memref<128x128xf32, #tpu.memory_space<vmem>>, %arg5: memref<1x128xf32, #tpu.memory_space<vmem>>, %arg6: memref<128x128xf32, #tpu.memory_space<vmem>>, %arg7: memref<1x128xf32, #tpu.memory_space<vmem>>, %arg8: memref<1000x128xf32, #tpu.memory_space<vmem>>) attributes {dimension_semantics = [#tpu.dimension_semantics<arbitrary>], iteration_bounds = array<i64: 10>, scalar_prefetch = 0 : i64, scratch_operands = 0 : i64, tpu.core_type = #tpu.core_type<tc>, window_params = [{transform_indices = @transform_0, window_bounds = array<i64: 1000, 128>}, {transform_indices = @transform_1, window_bounds = array<i64: 1, 1000, 128>}, {transform_indices = @transform_2, window_bounds = array<i64: 1, 1000, 128>}, {pipeline_mode = #tpu.pipeline_mode<synchronous>, transform_indices = @transform_3, window_bounds = array<i64: 128, 128>}, {pipeline_mode = #tpu.pipeline_mode<synchronous>, transform_indices = @transform_4, window_bounds = array<i64: 1, 128>}, {pipeline_mode = #tpu.pipeline_mode<synchronous>, transform_indices = @transform_5, window_bounds = array<i64: 128, 128>}, {pipeline_mode = #tpu.pipeline_mode<synchronous>, transform_indices = @transform_6, window_bounds = array<i64: 1, 128>}, {transform_indices = @transform_7, window_bounds = array<i64: 1000, 128>}]} {
    %get3A = arith.constant 0 : index
    %get3A_0 = arith.constant 0 : index
    %get3A_1 = vector.load %arg1[%get3A, %get3A_0] : memref<1000x128xf32, #tpu.memory_space<vmem>>, vector<1000x128xf32>
    %get3A_2 = arith.constant 0 : index
    %get3A_3 = arith.constant 0 : index
    %get3A_4 = arith.constant 0 : index
    %get3A_5 = vector.load %arg2[%get3A_2, %get3A_3, %get3A_4] : memref<1x1000x128xf32, #tpu.memory_space<vmem>>, vector<1x1000x128xf32>
    %get3A_6 = vector.shape_cast %get3A_5 : vector<1x1000x128xf32> to vector<1000x128xf32>
    %add3A = arith.addf %get3A_1, %get3A_6 : vector<1000x128xf32>
    %get3A_7 = arith.constant 0 : index
    %get3A_8 = arith.constant 0 : index
    %get3A_9 = arith.constant 0 : index
    %get3A_10 = vector.load %arg3[%get3A_7, %get3A_8, %get3A_9] : memref<1x1000x128xf32, #tpu.memory_space<vmem>>, vector<1x1000x128xf32>
    %get3A_11 = vector.shape_cast %get3A_10 : vector<1x1000x128xf32> to vector<1000x128xf32>
    %add3A_12 = arith.addf %add3A, %get3A_11 : vector<1000x128xf32>
    %get3A_13 = arith.constant 0 : index
    %get3A_14 = arith.constant 0 : index
    %get3A_15 = vector.load %arg4[%get3A_13, %get3A_14] : memref<128x128xf32, #tpu.memory_space<vmem>>, vector<128x128xf32>
    %dot_general3A = arith.constant dense<0.000000e+00> : vector<1000x128xf32>
    %dot_general3A_16 = tpu.matmul %add3A_12, %get3A_15, %dot_general3A {dimension_numbers = #tpu.dot_dimension_numbers<[1], [0], [0], [1], [0, 0, 1, 1], [], []>, precision = #tpu.contract_precision<fp32>, transpose_lhs_hint = false} : vector<1000x128xf32>, vector<128x128xf32>, vector<1000x128xf32> -> vector<1000x128xf32>
    %get3A_17 = arith.constant 0 : index
    %get3A_18 = arith.constant 0 : index
    %get3A_19 = vector.load %arg5[%get3A_17, %get3A_18] : memref<1x128xf32, #tpu.memory_space<vmem>>, vector<1x128xf32>
    %add3A_20 = vector.broadcast %get3A_19 : vector<1x128xf32> to vector<1000x128xf32>
    %add3A_21 = arith.addf %dot_general3A_16, %add3A_20 : vector<1000x128xf32>
    %max3A = arith.constant 0.000000e+00 : f32
    %max3A_22 = vector.broadcast %max3A : f32 to vector<1000x128xf32>
    %max3A_23 = arith.maximumf %add3A_21, %max3A_22 : vector<1000x128xf32>
    %get3A_24 = arith.constant 0 : index
    %get3A_25 = arith.constant 0 : index
    %get3A_26 = vector.load %arg6[%get3A_24, %get3A_25] : memref<128x128xf32, #tpu.memory_space<vmem>>, vector<128x128xf32>
    %dot_general3A_27 = arith.constant dense<0.000000e+00> : vector<1000x128xf32>
    %dot_general3A_28 = tpu.matmul %max3A_23, %get3A_26, %dot_general3A_27 {dimension_numbers = #tpu.dot_dimension_numbers<[1], [0], [0], [1], [0, 0, 1, 1], [], []>, precision = #tpu.contract_precision<fp32>, transpose_lhs_hint = false} : vector<1000x128xf32>, vector<128x128xf32>, vector<1000x128xf32> -> vector<1000x128xf32>
    %get3A_29 = arith.constant 0 : index
    %get3A_30 = arith.constant 0 : index
    %get3A_31 = vector.load %arg7[%get3A_29, %get3A_30] : memref<1x128xf32, #tpu.memory_space<vmem>>, vector<1x128xf32>
    %add3A_32 = vector.broadcast %get3A_31 : vector<1x128xf32> to vector<1000x128xf32>
    %add3A_33 = arith.addf %dot_general3A_28, %add3A_32 : vector<1000x128xf32>
    %max3A_34 = arith.constant 0.000000e+00 : f32
    %max3A_35 = vector.broadcast %max3A_34 : f32 to vector<1000x128xf32>
    %max3A_36 = arith.maximumf %add3A_33, %max3A_35 : vector<1000x128xf32>
    %swap3A = arith.constant 0 : index
    %swap3A_37 = arith.constant 0 : index
    %swap3A_38 = vector.load %arg8[%swap3A, %swap3A_37] : memref<1000x128xf32, #tpu.memory_space<vmem>>, vector<1000x128xf32>
    tpu.vector_store %arg8[%swap3A, %swap3A_37], %max3A_36 {strides = array<i32>} : memref<1000x128xf32, #tpu.memory_space<vmem>>, vector<1000x128xf32>,
    return
  }
  func.func @transform_0(%arg0: i32) -> (i32, i32) {
    %c0_i32 = arith.constant 0 : i32
    %c0_i32_0 = arith.constant 0 : i32
    return %arg0, %c0_i32 : i32, i32
  }
  func.func @transform_1(%arg0: i32) -> (i32, i32, i32) {
    %c0_i32 = arith.constant 0 : i32
    %c0_i32_0 = arith.constant 0 : i32
    %c0_i32_1 = arith.constant 0 : i32
    return %c0_i32, %arg0, %c0_i32_0 : i32, i32, i32
  }
  func.func @transform_2(%arg0: i32) -> (i32, i32, i32) {
    %c1_i32 = arith.constant 1 : i32
    %c0_i32 = arith.constant 0 : i32
    %c0_i32_0 = arith.constant 0 : i32
    return %c1_i32, %arg0, %c0_i32 : i32, i32, i32
  }
  func.func @transform_3(%arg0: i32) -> (i32, i32) {
    %c0_i32 = arith.constant 0 : i32
    %c0_i32_0 = arith.constant 0 : i32
    %c0_i32_1 = arith.constant 0 : i32
    return %c0_i32, %c0_i32_0 : i32, i32
  }
  func.func @transform_4(%arg0: i32) -> (i32, i32) {
    %c0_i32 = arith.constant 0 : i32
    %c0_i32_0 = arith.constant 0 : i32
    %c0_i32_1 = arith.constant 0 : i32
    return %c0_i32, %c0_i32_0 : i32, i32
  }
  func.func @transform_5(%arg0: i32) -> (i32, i32) {
    %c0_i32 = arith.constant 0 : i32
    %c0_i32_0 = arith.constant 0 : i32
    %c0_i32_1 = arith.constant 0 : i32
    return %c0_i32, %c0_i32_0 : i32, i32
  }
  func.func @transform_6(%arg0: i32) -> (i32, i32) {
    %c0_i32 = arith.constant 0 : i32
    %c0_i32_0 = arith.constant 0 : i32
    %c0_i32_1 = arith.constant 0 : i32
    return %c0_i32, %c0_i32_0 : i32, i32
  }
  func.func @transform_7(%arg0: i32) -> (i32, i32) {
    %c0_i32 = arith.constant 0 : i32
    %c0_i32_0 = arith.constant 0 : i32
    return %arg0, %c0_i32 : i32, i32
  }
}

module attributes {stable_mosaic.version = 14 : i64} {
  func.func @body(%arg0: i32, %arg1: memref<1000x128xf32, #tpu.memory_space<vmem>>, %arg2: memref<1x1000x128xf32, #tpu.memory_space<vmem>>, %arg3: memref<1x1000x128xf32, #tpu.memory_space<vmem>>, %arg4: memref<128x128xf32, #tpu.memory_space<vmem>>, %arg5: memref<1x128xf32, #tpu.memory_space<vmem>>, %arg6: memref<128x128xf32, #tpu.memory_space<vmem>>, %arg7: memref<1x128xf32, #tpu.memory_space<vmem>>, %arg8: memref<128x128xf32, #tpu.memory_space<vmem>>, %arg9: memref<1x128xf32, #tpu.memory_space<vmem>>, %arg10: memref<1x128xf32, #tpu.memory_space<vmem>>, %arg11: memref<1x128xf32, #tpu.memory_space<vmem>>) attributes {dimension_semantics = [#tpu.dimension_semantics<arbitrary>], iteration_bounds = array<i64: 10>, scalar_prefetch = 0 : i64, scratch_operands = 1 : i64, tpu.core_type = #tpu.core_type<tc>, window_params = [{transform_indices = @transform_0, window_bounds = array<i64: 1000, 128>}, {transform_indices = @transform_1, window_bounds = array<i64: 1, 1000, 128>}, {transform_indices = @transform_2, window_bounds = array<i64: 1, 1000, 128>}, {pipeline_mode = #tpu.pipeline_mode<synchronous>, transform_indices = @transform_3, window_bounds = array<i64: 128, 128>}, {pipeline_mode = #tpu.pipeline_mode<synchronous>, transform_indices = @transform_4, window_bounds = array<i64: 1, 128>}, {pipeline_mode = #tpu.pipeline_mode<synchronous>, transform_indices = @transform_5, window_bounds = array<i64: 128, 128>}, {pipeline_mode = #tpu.pipeline_mode<synchronous>, transform_indices = @transform_6, window_bounds = array<i64: 1, 128>}, {pipeline_mode = #tpu.pipeline_mode<synchronous>, transform_indices = @transform_7, window_bounds = array<i64: 128, 128>}, {pipeline_mode = #tpu.pipeline_mode<synchronous>, transform_indices = @transform_8, window_bounds = array<i64: 1, 128>}, {pipeline_mode = #tpu.pipeline_mode<synchronous>, transform_indices = @transform_9, window_bounds = array<i64: 1, 128>}]} {
    %eq3A = arith.constant 0 : i32
    %eq3A_0 = arith.cmpi eq, %arg0, %eq3A : i32
    %convert_element_type3A = arith.extui %eq3A_0 : i1 to i32
    %cond3A = arith.constant 0 : i32
    %cond3A_1 = arith.cmpi ne, %convert_element_type3A, %cond3A : i32
    scf.if %cond3A_1 {
      %broadcast_in_dim3A_51 = arith.constant 0.000000e+00 : f32
      %broadcast_in_dim3A_52 = vector.broadcast %broadcast_in_dim3A_51 : f32 to vector<1x128xf32>
      %swap3A_53 = arith.constant 0 : index
      %swap3A_54 = arith.constant 0 : index
      %swap3A_55 = vector.load %arg11[%swap3A_53, %swap3A_54] : memref<1x128xf32, #tpu.memory_space<vmem>>, vector<1x128xf32>
      tpu.vector_store %arg11[%swap3A_53, %swap3A_54], %broadcast_in_dim3A_52 {strides = array<i32>} : memref<1x128xf32, #tpu.memory_space<vmem>>, vector<1x128xf32>,
    } else {
    }
    %get3A = arith.constant 0 : index
    %get3A_2 = arith.constant 0 : index
    %get3A_3 = vector.load %arg1[%get3A, %get3A_2] : memref<1000x128xf32, #tpu.memory_space<vmem>>, vector<1000x128xf32>
    %get3A_4 = arith.constant 0 : index
    %get3A_5 = arith.constant 0 : index
    %get3A_6 = arith.constant 0 : index
    %get3A_7 = vector.load %arg2[%get3A_4, %get3A_5, %get3A_6] : memref<1x1000x128xf32, #tpu.memory_space<vmem>>, vector<1x1000x128xf32>
    %get3A_8 = vector.shape_cast %get3A_7 : vector<1x1000x128xf32> to vector<1000x128xf32>
    %add3A = arith.addf %get3A_3, %get3A_8 : vector<1000x128xf32>
    %get3A_9 = arith.constant 0 : index
    %get3A_10 = arith.constant 0 : index
    %get3A_11 = arith.constant 0 : index
    %get3A_12 = vector.load %arg3[%get3A_9, %get3A_10, %get3A_11] : memref<1x1000x128xf32, #tpu.memory_space<vmem>>, vector<1x1000x128xf32>
    %get3A_13 = vector.shape_cast %get3A_12 : vector<1x1000x128xf32> to vector<1000x128xf32>
    %add3A_14 = arith.addf %add3A, %get3A_13 : vector<1000x128xf32>
    %get3A_15 = arith.constant 0 : index
    %get3A_16 = arith.constant 0 : index
    %get3A_17 = vector.load %arg4[%get3A_15, %get3A_16] : memref<128x128xf32, #tpu.memory_space<vmem>>, vector<128x128xf32>
    %dot_general3A = arith.constant dense<0.000000e+00> : vector<1000x128xf32>
    %dot_general3A_18 = tpu.matmul %add3A_14, %get3A_17, %dot_general3A {dimension_numbers = #tpu.dot_dimension_numbers<[1], [0], [0], [1], [0, 0, 1, 1], [], []>, precision = #tpu.contract_precision<fp32>, transpose_lhs_hint = false} : vector<1000x128xf32>, vector<128x128xf32>, vector<1000x128xf32> -> vector<1000x128xf32>
    %get3A_19 = arith.constant 0 : index
    %get3A_20 = arith.constant 0 : index
    %get3A_21 = vector.load %arg5[%get3A_19, %get3A_20] : memref<1x128xf32, #tpu.memory_space<vmem>>, vector<1x128xf32>
    %add3A_22 = vector.broadcast %get3A_21 : vector<1x128xf32> to vector<1000x128xf32>
    %add3A_23 = arith.addf %dot_general3A_18, %add3A_22 : vector<1000x128xf32>
    %max3A = arith.constant 0.000000e+00 : f32
    %max3A_24 = vector.broadcast %max3A : f32 to vector<1000x128xf32>
    %max3A_25 = arith.maximumf %add3A_23, %max3A_24 : vector<1000x128xf32>
    %get3A_26 = arith.constant 0 : index
    %get3A_27 = arith.constant 0 : index
    %get3A_28 = vector.load %arg6[%get3A_26, %get3A_27] : memref<128x128xf32, #tpu.memory_space<vmem>>, vector<128x128xf32>
    %dot_general3A_29 = arith.constant dense<0.000000e+00> : vector<1000x128xf32>
    %dot_general3A_30 = tpu.matmul %max3A_25, %get3A_28, %dot_general3A_29 {dimension_numbers = #tpu.dot_dimension_numbers<[1], [0], [0], [1], [0, 0, 1, 1], [], []>, precision = #tpu.contract_precision<fp32>, transpose_lhs_hint = false} : vector<1000x128xf32>, vector<128x128xf32>, vector<1000x128xf32> -> vector<1000x128xf32>
    %get3A_31 = arith.constant 0 : index
    %get3A_32 = arith.constant 0 : index
    %get3A_33 = vector.load %arg7[%get3A_31, %get3A_32] : memref<1x128xf32, #tpu.memory_space<vmem>>, vector<1x128xf32>
    %add3A_34 = vector.broadcast %get3A_33 : vector<1x128xf32> to vector<1000x128xf32>
    %add3A_35 = arith.addf %dot_general3A_30, %add3A_34 : vector<1000x128xf32>
    %max3A_36 = arith.constant 0.000000e+00 : f32
    %max3A_37 = vector.broadcast %max3A_36 : f32 to vector<1000x128xf32>
    %max3A_38 = arith.maximumf %add3A_35, %max3A_37 : vector<1000x128xf32>
    %get3A_39 = arith.constant 0 : index
    %get3A_40 = arith.constant 0 : index
    %get3A_41 = vector.load %arg11[%get3A_39, %get3A_40] : memref<1x128xf32, #tpu.memory_space<vmem>>, vector<1x128xf32>
    %reduce_sum3A = arith.constant dense<0.000000e+00> : vector<128xf32>
    %reduce_sum3A_42 = vector.multi_reduction <add>, %max3A_38, %reduce_sum3A [0] : vector<1000x128xf32> to vector<128xf32>
    %broadcast_in_dim3A = vector.shape_cast %reduce_sum3A_42 : vector<128xf32> to vector<1x128xf32>
    %add3A_43 = arith.addf %get3A_41, %broadcast_in_dim3A : vector<1x128xf32>
    %swap3A = arith.constant 0 : index
    %swap3A_44 = arith.constant 0 : index
    %swap3A_45 = vector.load %arg11[%swap3A, %swap3A_44] : memref<1x128xf32, #tpu.memory_space<vmem>>, vector<1x128xf32>
    tpu.vector_store %arg11[%swap3A, %swap3A_44], %add3A_43 {strides = array<i32>} : memref<1x128xf32, #tpu.memory_space<vmem>>, vector<1x128xf32>,
    %eq3A_46 = arith.constant 9 : i32
    %eq3A_47 = arith.cmpi eq, %arg0, %eq3A_46 : i32
    %convert_element_type3A_48 = arith.extui %eq3A_47 : i1 to i32
    %cond3A_49 = arith.constant 0 : i32
    %cond3A_50 = arith.cmpi ne, %convert_element_type3A_48, %cond3A_49 : i32
    scf.if %cond3A_50 {
      %get3A_51 = arith.constant 0 : index
      %get3A_52 = arith.constant 0 : index
      %get3A_53 = vector.load %arg11[%get3A_51, %get3A_52] : memref<1x128xf32, #tpu.memory_space<vmem>>, vector<1x128xf32>
      %get3A_54 = arith.constant 0 : index
      %get3A_55 = arith.constant 0 : index
      %get3A_56 = vector.load %arg8[%get3A_54, %get3A_55] : memref<128x128xf32, #tpu.memory_space<vmem>>, vector<128x128xf32>
      %dot_general3A_57 = arith.constant dense<0.000000e+00> : vector<1x128xf32>
      %dot_general3A_58 = tpu.matmul %get3A_53, %get3A_56, %dot_general3A_57 {dimension_numbers = #tpu.dot_dimension_numbers<[1], [0], [0], [1], [0, 0, 1, 1], [], []>, precision = #tpu.contract_precision<fp32>, transpose_lhs_hint = false} : vector<1x128xf32>, vector<128x128xf32>, vector<1x128xf32> -> vector<1x128xf32>
      %get3A_59 = arith.constant 0 : index
      %get3A_60 = arith.constant 0 : index
      %get3A_61 = vector.load %arg9[%get3A_59, %get3A_60] : memref<1x128xf32, #tpu.memory_space<vmem>>, vector<1x128xf32>
      %add3A_62 = arith.addf %dot_general3A_58, %get3A_61 : vector<1x128xf32>
      %swap3A_63 = arith.constant 0 : index
      %swap3A_64 = arith.constant 0 : index
      %swap3A_65 = vector.load %arg10[%swap3A_63, %swap3A_64] : memref<1x128xf32, #tpu.memory_space<vmem>>, vector<1x128xf32>
      tpu.vector_store %arg10[%swap3A_63, %swap3A_64], %add3A_62 {strides = array<i32>} : memref<1x128xf32, #tpu.memory_space<vmem>>, vector<1x128xf32>,
    } else {
    }
    return
  }
  func.func @transform_0(%arg0: i32) -> (i32, i32) {
    %c0_i32 = arith.constant 0 : i32
    %c0_i32_0 = arith.constant 0 : i32
    return %arg0, %c0_i32 : i32, i32
  }
  func.func @transform_1(%arg0: i32) -> (i32, i32, i32) {
    %c0_i32 = arith.constant 0 : i32
    %c0_i32_0 = arith.constant 0 : i32
    %c0_i32_1 = arith.constant 0 : i32
    return %c0_i32, %arg0, %c0_i32_0 : i32, i32, i32
  }
  func.func @transform_2(%arg0: i32) -> (i32, i32, i32) {
    %c1_i32 = arith.constant 1 : i32
    %c0_i32 = arith.constant 0 : i32
    %c0_i32_0 = arith.constant 0 : i32
    return %c1_i32, %arg0, %c0_i32 : i32, i32, i32
  }
  func.func @transform_3(%arg0: i32) -> (i32, i32) {
    %c0_i32 = arith.constant 0 : i32
    %c0_i32_0 = arith.constant 0 : i32
    %c0_i32_1 = arith.constant 0 : i32
    return %c0_i32, %c0_i32_0 : i32, i32
  }
  func.func @transform_4(%arg0: i32) -> (i32, i32) {
    %c0_i32 = arith.constant 0 : i32
    %c0_i32_0 = arith.constant 0 : i32
    %c0_i32_1 = arith.constant 0 : i32
    return %c0_i32, %c0_i32_0 : i32, i32
  }
  func.func @transform_5(%arg0: i32) -> (i32, i32) {
    %c0_i32 = arith.constant 0 : i32
    %c0_i32_0 = arith.constant 0 : i32
    %c0_i32_1 = arith.constant 0 : i32
    return %c0_i32, %c0_i32_0 : i32, i32
  }
  func.func @transform_6(%arg0: i32) -> (i32, i32) {
    %c0_i32 = arith.constant 0 : i32
    %c0_i32_0 = arith.constant 0 : i32
    %c0_i32_1 = arith.constant 0 : i32
    return %c0_i32, %c0_i32_0 : i32, i32
  }
  func.func @transform_7(%arg0: i32) -> (i32, i32) {
    %c0_i32 = arith.constant 0 : i32
    %c0_i32_0 = arith.constant 0 : i32
    %c0_i32_1 = arith.constant 0 : i32
    return %c0_i32, %c0_i32_0 : i32, i32
  }
  func.func @transform_8(%arg0: i32) -> (i32, i32) {
    %c0_i32 = arith.constant 0 : i32
    %c0_i32_0 = arith.constant 0 : i32
    %c0_i32_1 = arith.constant 0 : i32
    return %c0_i32, %c0_i32_0 : i32, i32
  }
  func.func @transform_9(%arg0: i32) -> (i32, i32) {
    %c0_i32 = arith.constant 0 : i32
    %c0_i32_0 = arith.constant 0 : i32
    %c0_i32_1 = arith.constant 0 : i32
    return %c0_i32, %c0_i32_0 : i32, i32
  }
}

</mosaic_0001>

<sc_bundles>
// kernel: kernel.6.cloned.1.call-start
scs
__scs_entry_jumppad:
0x0: {  	(pc) =	sbr.rel $0x88, $3  }
0x1: {  	(tag) =	ssettag $0x0;
	lr =	simm.s32 $0x1  }
0x2: {  	[smem:$0x3F95] =	sst lr;
	_ =	strace $0xD0000000  }
0x3: {  	_ = 	snop  }
0x4: {  	_ = 	snop  }
0x5: {  	_ = 	snop  }
0x6: {  	_ = 	snop  }
0x7: {  	_ = 	snop  }
__scs_overlays_trampoline_lowered:
0x8: {  	[smem:$0x3FA4] =	sst s0  }
0x9: {  	[smem:$0x3FA5] =	sst s1  }
0xa: {  	[smem:$0x3FA6] =	sst s2  }
0xb: {  	[smem:$0x3FA7] =	sst s3  }
0xc: {  	[smem:$0x3FA8] =	sst s4  }
0xd: {  	[smem:$0x3FA9] =	sst s5  }
0xe: {  	[smem:$0x3FAA] =	sst s6  }
0xf: {  	[smem:$0x3FAB] =	sst s7  }
0x10: {  	[smem:$0x3FAC] =	sst s8  }
0x11: {  	[smem:$0x3FAD] =	sst s9;
	s0 =	simm.s32 @!p0 $0x0  }
0x12: {  	s1 =	sld [smem:$0x3F93];
	s0 =	simm.s32 @p0 $0x1  }
0x13: {  	[smem:$0x3FAE] =	sst s0;
	s0 =	simm.s32 @!p1 $0x0  }
0x14: {  	s2 =	sld [smem:$0x3F92];
	s0 =	simm.s32 @p1 $0x1  }
0x15: {  	[smem:$0x3FAF] =	sst s0;
	s0 =	simm.s32 @!p2 $0x0  }
0x16: {  	s3 =	sld [smem:$0x3FDB];
	s0 =	simm.s32 @p2 $0x1  }
0x17: {  	s4 =	simm.s32 $0x1BF5;
	[smem:$0x3FB1] =	sst s0  }
0x18: {  	s0 =	sld [smem:$0x3F94];
	_ =	swait.ge [sflag:s4], $0x0  }
0x19: {  	s7 =	sld [smem:$0x3F95]  }
0x1a: {  	s8 =	sadd.s32 $0xFFFFE003, lr  }
0x1b: {  	s9 =	sadd.s32 $0xFFFFFEF7, lr;
	s5 =	simm.s32 $0xFFFFFFFF;
	p2 =	slt.u32 s8, $0xFFFFF086  }
0x1c: {  	p1 =	slt.u32 s9, $0xF7A;
	s5 =	simm.s32 @!p2 $0x0  }
0x1d: {  	s5 =	simm.s32 @p1 $0x1;
	p0 =	seq.s32 s7, s2  }
0x1e: {  	s7 =	smul.u32 @!p0 $0xF7A, s2;
	p2 =	seq.s32 @!p0 s5, $0x0  }
0x1f: {  	s9 =	smul.u32 $0xF7A, s1;
	s8 =	simm.s32 @!p0 $0x1BF5;
	p2 =	por !p2, p0  }
0x20: {  	[sflag:s8] =	ssyncset.s32 @!p0 $0xFFFFF086;
	s6 =	sadd.s32 @!p0 s3, s7;
	s7 =	simm.s32 @!p0 $0x108  }
0x21: {  	s3 =	sadd.s32 s3, s9;
	s6 =	sadd.s32 @!p0 $0x88, s6;
	s7 =	simm.s32 @p2 $0x1082  }
0x22: {  	[simem:s7], [sflag:s8] =	dma.local @!p0 [hbm:s6], $0xF7A  }
0x23: {  	s9 =	sor.u32 $0xD0000000, s2;
	s6 =	simm.s32 $0x108;
	_ =	swait.ge @!p0 [sflag:s8], $0x0  }
0x24: {  	s3 =	sadd.s32 $0x88, s3;
	s6 =	simm.s32 @!p1 $0x1082;
	[sflag:s4] =	ssyncset.s32 $0xFFFFF086  }
0x25: {  	[simem:s6], [sflag:s4] =	dma.local [hbm:s3], $0xF7A  }
0x26: {  	[smem:$0x3F95] =	sst s1;
	(tag) =	ssettag s2;
	_ =	strace s9  }
0x27: {  	s1 =	sld [smem:$0x3FA5]  }
0x28: {  	s2 =	sld [smem:$0x3FA6]  }
0x29: {  	s4 =	sld [smem:$0x3FA8]  }
0x2a: {  	p0 =	seq.s32 s5, $0x0;
	s5 =	sld [smem:$0x3FA9]  }
0x2b: {  	s6 =	sld [smem:$0x3FAA]  }
0x2c: {  	s7 =	sld [smem:$0x3FAB]  }
0x2d: {  	s3 =	simm.s32 $0x108;
	s8 =	sld [smem:$0x3FAC]  }
0x2e: {  	s3 =	simm.s32 @!p0 $0x1082;
	s9 =	sld [smem:$0x3FAD]  }
0x2f: {  	lr =	sadd.s32 s0, s3;
	s0 =	sld [smem:$0x3FA4]  }
0x30: {  	s3 =	sld [smem:$0x3FA7]  }
0x31: {  	[smem:$0x3FB0] =	sst s10  }
0x32: {  	s10 =	sld [smem:$0x3FAE];
	_ =	sdelay $0x3  }
0x33: {  	p0 =	seq.s32 s10, $0x1;
	s10 =	sld [smem:$0x3FB0];
	_ =	sdelay $0x3  }
0x34: {  	[smem:$0x3FB0] =	sst s10  }
0x35: {  	s10 =	sld [smem:$0x3FAF];
	_ =	sdelay $0x3  }
0x36: {  	p1 =	seq.s32 s10, $0x1;
	s10 =	sld [smem:$0x3FB0];
	_ =	sdelay $0x3  }
0x37: {  	[smem:$0x3FB0] =	sst s10  }
0x38: {  	s10 =	sld [smem:$0x3FB1]  }
0x39: {  	_ = 	snop;
	(pc) =	sbr.ind lr, $3  }
0x3a: {  	_ = 	snop  }
0x3b: {  	_ = 	snop  }
0x3c: {  	p2 =	seq.s32 s10, $0x1;
	s10 =	sld [smem:$0x3FB0]  }
0x3d: {  	_ =	shalt  }
0x3e: {  	_ =	shalt  }
0x3f: {  	_ =	shalt  }
0x40: {  	_ =	shalt  }
0x41: {  	_ =	shalt  }
0x42: {  	_ =	shalt  }
0x43: {  	_ =	shalt  }
0x44: {  	_ =	shalt  }
0x45: {  	_ =	shalt  }
0x46: {  	_ =	shalt  }
0x47: {  	_ =	shalt  }
0x48: {  	_ =	shalt  }
0x49: {  	_ =	shalt  }
0x4a: {  	_ =	shalt  }
0x4b: {  	_ =	shalt  }
0x4c: {  	_ =	shalt  }
0x4d: {  	_ =	shalt  }
0x4e: {  	_ =	shalt  }
0x4f: {  	_ =	shalt  }
0x50: {  	_ =	shalt  }
0x51: {  	_ =	shalt  }
0x52: {  	_ =	shalt  }
0x53: {  	_ =	shalt  }
0x54: {  	_ =	shalt  }
0x55: {  	_ =	shalt  }
0x56: {  	_ =	shalt  }
0x57: {  	_ =	shalt  }
0x58: {  	_ =	shalt  }
0x59: {  	_ =	shalt  }
0x5a: {  	_ =	shalt  }
0x5b: {  	_ =	shalt  }
0x5c: {  	_ =	shalt  }
0x5d: {  	_ =	shalt  }
0x5e: {  	_ =	shalt  }
0x5f: {  	_ =	shalt  }
0x60: {  	_ =	shalt  }
0x61: {  	_ =	shalt  }
0x62: {  	_ =	shalt  }
0x63: {  	_ =	shalt  }
0x64: {  	_ =	shalt  }
0x65: {  	_ =	shalt  }
0x66: {  	_ =	shalt  }
0x67: {  	_ =	shalt  }
0x68: {  	_ =	shalt  }
0x69: {  	_ =	shalt  }
0x6a: {  	_ =	shalt  }
0x6b: {  	_ =	shalt  }
0x6c: {  	_ =	shalt  }
0x6d: {  	_ =	shalt  }
0x6e: {  	_ =	shalt  }
0x6f: {  	_ =	shalt  }
0x70: {  	_ =	shalt  }
0x71: {  	_ =	shalt  }
0x72: {  	_ =	shalt  }
0x73: {  	_ =	shalt  }
0x74: {  	_ =	shalt  }
0x75: {  	_ =	shalt  }
0x76: {  	_ =	shalt  }
0x77: {  	_ =	shalt  }
0x78: {  	_ =	shalt  }
0x79: {  	_ =	shalt  }
0x7a: {  	_ =	shalt  }
0x7b: {  	_ =	shalt  }
0x7c: {  	_ =	shalt  }
0x7d: {  	_ =	shalt  }
0x7e: {  	_ =	shalt  }
0x7f: {  	_ =	shalt  }
0x80: {  	_ =	shalt  }
0x81: {  	_ =	shalt  }
0x82: {  	_ =	shalt  }
0x83: {  	_ =	shalt  }
0x84: {  	_ =	shalt  }
0x85: {  	_ =	shalt  }
0x86: {  	_ =	shalt  }
0x87: {  	_ =	shalt  }
.Lfunc_end0:
.L_simem_size_0:
called_computation_lowered:
.L_overlay_start_0:
0x88: {  	s2 =	sld [smem:$0x3FD9]  }
0x89: {  	s3 =	sld [smem:$0x3FFE];
	_ =	sdelay $0x1  }
0x8a: {  	s1 =	srdreg.scid  }
0x8b: {  	s0 =	sand.u32 $0x1, s1  }
0x8c: {  	s17 =	sshll.u32 s0, $0xA;
	s2 =	sadd.s32 s3, s2  }
0x8d: {  	s2 =	sadd.s32 s2, s17  }
0x8e: {  	[smem:$0x3FBC] =	sst s2  }
0x8f: {  	_ = 	snop  }
0x90: {  	s2 =	sld [smem:$0x3FC9];
	(tm) =	ssettm $0x1  }
0x91: {  	s18 =	sld [smem:$0x3FFB];
	_ =	sdelay $0x3  }
0x92: {  	_ =	strace s18  }
0x93: {  	s3 =	sld [smem:$0x3FFC];
	_ =	sdelay $0x3  }
0x94: {  	_ =	strace s3  }
0x95: {  	s3 =	sld [smem:$0x3FFD];
	_ =	sdelay $0x3  }
0x96: {  	_ =	strace s3  }
0x97: {  	_ =	strace $0x8FFFFFFF  }
0x98: {  	s19 =	sld [smem:$0x3FDB];
	_ =	sdelay $0x1  }
0x99: {  	s4 =	simm.s32 $_scs_section_size  }
0x9a: {  	s5 =	simm.s32 $_size__tile_overlayer_lowered;
	s6 =	simm.s32 $_tile_overlayer_lowered  }
0x9b: {  	s22 =	simm.s32 $0x1BFF;
	s21 =	sshll.u32 s6, $0x1;
	s3 =	sadd.s32 s4, s19  }
0x9c: {  	s7 =	simm.s32 $0x0;
	s20 =	sshll.u32 s5, $0x1;
	s5 =	sadd.s32 s21, s3  }
0x9d: {  	[timem:s7], [sflag:s22] =	dma.local [hbm:s5], s20  }
0x9e: {  	_ =	swait.ge [sflag:s22], s20  }
0x9f: {  	s4 =	ssub.s32 $0x0, s20;
	[sflag:s22] =	ssyncset.done $0x0  }
0xa0: {  	[sflag:s22] =	ssyncadd.s32 s4;
	_ =	sdelay $0x1  }
0xa1: {  	s23 =	simm.s32 $0x1B8B  }
0xa2: {  	_ =	swait.ge [sflag:s23], $0x1  }
0xa3: {  	[sflag:s23] =	ssyncset.done $0x0  }
0xa4: {  	s25 =	simm.s32 $0x1B8E;
	s24 =	sld [smem:$0x3FFE];
	[sflag:s23] =	ssyncadd.s32 $0xFFFFFFFF  }
0xa5: {  	s26 =	simm.s32 $execute0_lowered;
	[smem:$0x3FD2] =	sst s25  }
0xa6: {  	s5 =	sshll.u32 s26, $0x1;
	_ =	strace $0x80000046;
	[dreg:$0x1] =	wrdreg $0xFFFFFFFF  }
0xa7: {  	s28 =	simm.s32 $_size_execute0_lowered;
	s3 =	sadd.s32 s3, s5;
	[dreg:$0x0] =	wrdreg $0x0  }
0xa8: {  	s5 =	sshll.u32 s28, $0x1;
	[dreg:$0x2] =	wrdreg s3  }
0xa9: {  	[dreg:$0x3] =	wrdreg s5  }
0xaa: {  	[dreg:$0x4] =	wrdreg $0xC0  }
0xab: {  	_ =	task [dreg:s7], $0x5FFFF  }
0xac: {  	[dreg:$0x1] =	wrdreg $0xFFFFFFFF  }
0xad: {  	[dreg:$0x0] =	wrdreg $0x60  }
0xae: {  	[dreg:$0x2] =	wrdreg s2  }
0xaf: {  	[dreg:$0x3] =	wrdreg s24  }
0xb0: {  	[dreg:$0x4] =	wrdreg $0xC0000  }
0xb1: {  	[dreg:$0x5] =	wrdreg $0x9  }
0xb2: {  	_ =	task.clear_ibuf [dreg:s7], $0x6FFFF;
	_ =	strace $0x90000046  }
0xb3: {  	s29 =	simm.s32 $0x9;
	_ =	strace $0x80000048  }
0xb4: {  	_ =	swait.ge [sflag:s29], $0x1  }
0xb5: {  	[sflag:s29] =	ssyncadd.s32 $0xFFFFFFFF  }
0xb6: {  	_ =	strace $0x90000048  }
0xb7: {  	_ =	sfence  }
0xb8: {  	s30 =	sld [smem:$0x0];
	_ =	sdelay $0x2  }
0xb9: {  	s31 =	sshll.u32 s1, $0xD;
	s1 =	sshrl.u32 s1, $0x2  }
0xba: {  	s3 =	sand.u32 $0x4000, s31;
	s1 =	sadd.s32 s1, s30  }
0xbb: {  	s0 =	sor.u32 s3, s0;
	s1 =	sshll.u32 s1, $0x11  }
0xbc: {  	s0 =	sor.u32 s1, s0  }
0xbd: {  	s0 =	sadd.s32 $0x8F2B, s0  }
0xbe: {  	[sflag:s0] =	ssyncadd.remote.s32 $0x1  }
0xbf: {  	_ =	sfence.sel $0xFFFF  }
0xc0: {  	[dreg:$0x0] =	wrdreg $0xFFFFFFFF;
	(pc) =	sbr.abs _section_cstart, $3  }
0xc1: {  	[dreg:$0x1] =	wrdreg $0xFFFFFFFF  }
0xc2: {  	_ =	task.clear_ibuf [dreg:s7], $0x2FFFF;
	_ =	strace $0x9FFFFFFF  }
0xc3: {  	(tm) =	ssettm $0x7FFFFFFF  }
tec
execute0_lowered:
.L_overlay_start_1:
0x0: {  	(tag) =	ssettag $0x1  }
0x1: {  	s2 =	rddreg [dreg:$0x0]  }
0x2: {  	s5 =	rddreg [dreg:$0x1]  }
0x3: {  	s3 =	rddreg [dreg:$0x2]  }
0x4: {  	s0 =	rddreg [dreg:$0x3];
	s1 =	stileid.u32  }
0x5: {  	s6 =	srdreg.scid;
	s4 =	simm.s32 $0x0;
	s16 =	simm.s32 $0x8000  }
0x6: {  	s17 =	simm.s32 $0x1;
	s18 =	simm.s32 $0x0;
	s7 =	smul.u32 $0x13C00, s1  }
0x7: {  	s13 =	sand.u32 $0x1, s6;
	[smem:$0x7FF] =	sst s4;
	s9 =	sadd.s32 $0xC600, s5  }
0x8: {  	s10 =	sadd.s32 $0x2600, s5;
	s24 =	smul.u32 $0x4F000, s1;
	s28 =	sshll.u32 s1, $0x9  }
0x9: {  	s29 =	sshll.u32 s1, $0x6;
	s31 =	sshll.u32 s1, $0xB;
	s6 =	smul.u32 $0x13C000, s13  }
0xa: {  	_ =	strace $0x80000047;
	s11 =	ssub.s32 $0x2, s13;
	s30 =	sor.u32 $0x8000, s28  }
0xb: {  	p0 =	sne.s32 s13, $0x0;
	s8 =	sshrl.u32 s7, $0x3;
	s25 =	sshrl.u32 s11, $0x1  }
0xc: {  	s26 =	sshrl.u32 s24, $0x2;
	s6 =	sadd.s32 s7, s6;
	s8 =	sadd.s32 s8, s5  }
0xd: {  	s14 =	ssub.s32 s11, s25;
	s15 =	sadd.s32 s26, s3;
	s7 =	sadd.s32 s9, s30  }
0xe: {  	s9 =	sadd.s32 s9, s31;
	s6 =	sshrl.u32 s6, $0x3;
	s13 =	sshrl.u32 s15, $0x3  }
0xf: {  	s15 =	simm.s32 $0x80;
	s12 =	sadd.s32 s6, s5;
	s5 =	sadd.s32 $0x16600, s8  }
0x10: {  	s6 =	sor.u32 $0x1C02, s29;
	s8 =	sadd.s32 s10, s30;
	s10 =	sadd.s32 s10, s31  }
0x11: {  	s11 =	sadd.s32 $0x3DE00, s12;
	s12 =	smax.u32 s14, $0x1;
	s14 =	simm.s32 $0x2  }
.LBB2_1:
0x12: {  	[spmem:s13], [sflag:s6] =	dma.local [hbm:s5], $0x2780  }
0x13: {  	_ =	swait.ge [sflag:s14], $0x2780  }
0x14: {  	[sflag:s14] =	ssyncset.done $0x0  }
0x15: {  	[sflag:s14] =	ssyncadd.s32 $0xFFFFD880  }
0x16: {  	s19 =	simm.s32 @p0 $0x0;
	s20 =	simm.s32 @p0 $0x2;
	[bflag:$0x0] =	sbarrier.arrive $0xFFFF  }
0x17: {  	[tilespmem:s19], [sflag:$0x2] =	stream.linear.gather @p0 [hbm4b:s7+s19], $0x1000, $0x38;
	[tilespmem:$0x1FC00] =	vst v63  }
0x18: {  	_ =	swait.ge @p0 [sflag:s20], $0x1000  }
0x19: {  	[sflag:s20] =	ssyncset.done @p0 $0x0  }
0x1a: {  	s21 =	simm.s32 @p0 $0x4000;
	[sflag:s20] =	ssyncadd.s32 @p0 $0xFFFFF000  }
0x1b: {  	[tilespmem:s21], [sflag:$0x2] =	stream.linear.gather @p0 [hbm4b:s8+s19], $0x1000, $0x38;
	[tilespmem:$0x1FC00] =	vst v63  }
0x1c: {  	_ =	swait.ge @p0 [sflag:s20], $0x1000  }
0x1d: {  	[sflag:s20] =	ssyncset.done @p0 $0x0  }
0x1e: {  	s19 =	simm.s32 @!p0 $0x0;
	[sflag:s20] =	ssyncadd.s32 @p0 $0xFFFFF000;
	s20 =	simm.s32 @!p0 $0x2  }
0x1f: {  	[tilespmem:s19], [sflag:$0x2] =	stream.linear.gather @!p0 [hbm4b:s9+s19], $0x4000, $0x38;
	[tilespmem:$0x1FC00] =	vst v63  }
0x20: {  	_ =	swait.ge @!p0 [sflag:s20], $0x4000  }
0x21: {  	[sflag:s20] =	ssyncset.done @!p0 $0x0  }
0x22: {  	s21 =	simm.s32 @!p0 $0x4000;
	[sflag:s20] =	ssyncadd.s32 @!p0 $0xFFFFC000  }
0x23: {  	[tilespmem:s21], [sflag:$0x2] =	stream.linear.gather @!p0 [hbm4b:s10+s19], $0x4000, $0x38;
	[tilespmem:$0x1FC00] =	vst v63  }
0x24: {  	_ =	swait.ge @!p0 [sflag:s20], $0x4000  }
0x25: {  	[sflag:s20] =	ssyncset.done @!p0 $0x0  }
0x26: {  	[sflag:s20] =	ssyncadd.s32 @!p0 $0xFFFFC000;
	s20 =	simm.s32 @!p0 $0x80  }
0x27: {  	[tilespmem:s16], [sflag:$0x1] =	stream.indirect.gather [hbm4b:s2+s15], $0x80, s4, s15, $0xb8;
	[tilespmem:$0x1FC00] =	vst v63  }
0x28: {  	s20 =	simm.s32 @p0 $0x20  }
0x29: {  	_ =	swait.ge [sflag:s17], $0x4000;
	p1 =	sne.s32 s20, $0x1  }
.Ltmp0:
0x2a: {  	[sflag:s17] =	ssyncset.done $0x0;
	(pc) =	sbr.rel @!p1 .LBB2_3-.Ltmp0, $4  }
0x2b: {  	s19 =	simm.s32 $0x4000;
	[sflag:s17] =	ssyncadd.s32 $0xFFFFC000  }
0x2c: {  	[spmem:s3] =	stream.indirect.scatter.add.f32 [tilespmem:s16], [sflag:$0x2], $0x80, s19, s15, $0xb8;
	[tilespmem:$0x1FC00] =	vst v63  }
0x2d: {  	_ =	swait.ge [sflag:s14], $0x4000  }
0x2e: {  	s21 =	simm.s32 $0x0;
	s20 =	sadd.s32 $0xFFFFFFFF, s20;
	[sflag:s14] =	ssyncset.done $0x0  }
.LBB2_2:
0x2f: {  	[sflag:s14] =	ssyncadd.s32 $0xFFFFC000;
	s21 =	sadd.s32 $0x80, s21;
	s19 =	sadd.s32 $0x80, s19  }
0x30: {  	[tilespmem:s16], [sflag:$0x1] =	stream.indirect.gather [hbm4b:s2+s15], $0x80, s21, s15, $0xb8;
	[tilespmem:$0x1FC00] =	vst v63  }
0x31: {  	p1 =	sne.s32 s20, $0x1;
	s20 =	sadd.s32 $0xFFFFFFFF, s20;
	_ =	swait.ge [sflag:s17], $0x4000  }
.Ltmp1:
0x32: {  	[sflag:s17] =	ssyncset.done $0x0;
	(pc) =	sbr.rel @p1 .LBB2_2-.Ltmp1, $4  }
0x33: {  	[sflag:s17] =	ssyncadd.s32 $0xFFFFC000  }
0x34: {  	[spmem:s3] =	stream.indirect.scatter.add.f32 [tilespmem:s16], [sflag:$0x2], $0x80, s19, s15, $0xb8;
	[tilespmem:$0x1FC00] =	vst v63  }
0x35: {  	_ =	swait.ge [sflag:s14], $0x4000  }
0x36: {  	[sflag:s14] =	ssyncset.done $0x0  }
.LBB2_3:
0x37: {  	s18 =	sadd.s32 $0x1, s18  }
0x38: {  	[sflag:s14] =	ssyncadd.s32 $0xFFFFC000;
	p1 =	sne.s32 s18, s12  }
.Ltmp2:
0x39: {  	[bflag:$0x0] =	sbarrier.arrive $0xFFFF;
	(pc) =	sbr.rel @p1 .LBB2_1-.Ltmp2, $4  }
0x3a: {  	[hbm:s11], [sflag:s6] =	dma.local [spmem:s13], $0x2780  }
0x3b: {  	_ =	swait.ge [sflag:s14], $0x2780  }
0x3c: {  	[sflag:s14] =	ssyncset.done $0x0  }
0x3d: {  	[sflag:s14] =	ssyncadd.s32 $0xFFFFD880  }
0x3e: {  	_ =	sfence.sel $0x180000  }
0x3f: {  	[bflag:$0x0] =	sbarrier.arrive $0xFFFF  }
0x40: {  	p0 =	sne.s32 s1, $0x0;
	_ =	strace $0x90000047  }
0x41: {  	s0 =	sadd.s32 @!p0 $0x100000, s0;
	[bflag:$0x2] =	sbarrier.arrive $0xFFFF  }
0x42: {  	[sflag:s0] =	ssyncadd.tile.s32 @!p0 $0x1;
	_ =	shalt  }
.Lfunc_end2:
_tile_overlayer_lowered:
.L_overlay_start_2:
0x43: {  	(tag) =	ssettag $0x2  }
0x44: {  	s0 =	rddreg [dreg:$0x0];
	s2 =	stileid.u32  }
0x45: {  	s1 =	rddreg [dreg:$0x1];
	p0 =	sne.s32 s2, $0x0  }
0x46: {  	s3 =	rddreg [dreg:$0x2];
	[bflag:$0x3] =	sbarrier.arrive $0xFFFF;
	s2 =	simm.s32 @!p0 $0x1C02  }
0x47: {  	[timem:s3], [sflag:s2] =	dma.local @!p0 [hbm:s0], s1  }
0x48: {  	s0 =	simm.s32 @!p0 $0x2  }
0x49: {  	_ =	swait.ge @!p0 [sflag:s0], s1  }
0x4a: {  	s1 =	ssub.s32 @!p0 $0x0, s1;
	[sflag:s0] =	ssyncset.done @!p0 $0x0  }
0x4b: {  	[sflag:s0] =	ssyncadd.s32 @!p0 s1  }
0x4c: {  	[bflag:$0x3] =	sbarrier.arrive $0xFFFF  }
0x4d: {  	_ =	shalt  }

// kernel: kernel.9.cloned.1.call-start
scs
__scs_entry_jumppad:
0x0: {  	(pc) =	sbr.rel $0x88, $3  }
0x1: {  	(tag) =	ssettag $0x0;
	lr =	simm.s32 $0x1  }
0x2: {  	[smem:$0x3F95] =	sst lr;
	_ =	strace $0xD0000000  }
0x3: {  	_ = 	snop  }
0x4: {  	_ = 	snop  }
0x5: {  	_ = 	snop  }
0x6: {  	_ = 	snop  }
0x7: {  	_ = 	snop  }
__scs_overlays_trampoline_lowered:
0x8: {  	[smem:$0x3FA4] =	sst s0  }
0x9: {  	[smem:$0x3FA5] =	sst s1  }
0xa: {  	[smem:$0x3FA6] =	sst s2  }
0xb: {  	[smem:$0x3FA7] =	sst s3  }
0xc: {  	[smem:$0x3FA8] =	sst s4  }
0xd: {  	[smem:$0x3FA9] =	sst s5  }
0xe: {  	[smem:$0x3FAA] =	sst s6  }
0xf: {  	[smem:$0x3FAB] =	sst s7  }
0x10: {  	[smem:$0x3FAC] =	sst s8  }
0x11: {  	[smem:$0x3FAD] =	sst s9;
	s0 =	simm.s32 @!p0 $0x0  }
0x12: {  	s1 =	sld [smem:$0x3F93];
	s0 =	simm.s32 @p0 $0x1  }
0x13: {  	[smem:$0x3FAE] =	sst s0;
	s0 =	simm.s32 @!p1 $0x0  }
0x14: {  	s2 =	sld [smem:$0x3F92];
	s0 =	simm.s32 @p1 $0x1  }
0x15: {  	[smem:$0x3FAF] =	sst s0;
	s0 =	simm.s32 @!p2 $0x0  }
0x16: {  	s3 =	sld [smem:$0x3FDB];
	s0 =	simm.s32 @p2 $0x1  }
0x17: {  	s4 =	simm.s32 $0x1BF5;
	[smem:$0x3FB1] =	sst s0  }
0x18: {  	s0 =	sld [smem:$0x3F94];
	_ =	swait.ge [sflag:s4], $0x0  }
0x19: {  	s7 =	sld [smem:$0x3F95]  }
0x1a: {  	s8 =	sadd.s32 $0xFFFFE003, lr  }
0x1b: {  	s9 =	sadd.s32 $0xFFFFFEF7, lr;
	s5 =	simm.s32 $0xFFFFFFFF;
	p2 =	slt.u32 s8, $0xFFFFF086  }
0x1c: {  	p1 =	slt.u32 s9, $0xF7A;
	s5 =	simm.s32 @!p2 $0x0  }
0x1d: {  	s5 =	simm.s32 @p1 $0x1;
	p0 =	seq.s32 s7, s2  }
0x1e: {  	s7 =	smul.u32 @!p0 $0xF7A, s2;
	p2 =	seq.s32 @!p0 s5, $0x0  }
0x1f: {  	s9 =	smul.u32 $0xF7A, s1;
	s8 =	simm.s32 @!p0 $0x1BF5;
	p2 =	por !p2, p0  }
0x20: {  	[sflag:s8] =	ssyncset.s32 @!p0 $0xFFFFF086;
	s6 =	sadd.s32 @!p0 s3, s7;
	s7 =	simm.s32 @!p0 $0x108  }
0x21: {  	s3 =	sadd.s32 s3, s9;
	s6 =	sadd.s32 @!p0 $0x88, s6;
	s7 =	simm.s32 @p2 $0x1082  }
0x22: {  	[simem:s7], [sflag:s8] =	dma.local @!p0 [hbm:s6], $0xF7A  }
0x23: {  	s9 =	sor.u32 $0xD0000000, s2;
	s6 =	simm.s32 $0x108;
	_ =	swait.ge @!p0 [sflag:s8], $0x0  }
0x24: {  	s3 =	sadd.s32 $0x88, s3;
	s6 =	simm.s32 @!p1 $0x1082;
	[sflag:s4] =	ssyncset.s32 $0xFFFFF086  }
0x25: {  	[simem:s6], [sflag:s4] =	dma.local [hbm:s3], $0xF7A  }
0x26: {  	[smem:$0x3F95] =	sst s1;
	(tag) =	ssettag s2;
	_ =	strace s9  }
0x27: {  	s1 =	sld [smem:$0x3FA5]  }
0x28: {  	s2 =	sld [smem:$0x3FA6]  }
0x29: {  	s4 =	sld [smem:$0x3FA8]  }
0x2a: {  	p0 =	seq.s32 s5, $0x0;
	s5 =	sld [smem:$0x3FA9]  }
0x2b: {  	s6 =	sld [smem:$0x3FAA]  }
0x2c: {  	s7 =	sld [smem:$0x3FAB]  }
0x2d: {  	s3 =	simm.s32 $0x108;
	s8 =	sld [smem:$0x3FAC]  }
0x2e: {  	s3 =	simm.s32 @!p0 $0x1082;
	s9 =	sld [smem:$0x3FAD]  }
0x2f: {  	lr =	sadd.s32 s0, s3;
	s0 =	sld [smem:$0x3FA4]  }
0x30: {  	s3 =	sld [smem:$0x3FA7]  }
0x31: {  	[smem:$0x3FB0] =	sst s10  }
0x32: {  	s10 =	sld [smem:$0x3FAE];
	_ =	sdelay $0x3  }
0x33: {  	p0 =	seq.s32 s10, $0x1;
	s10 =	sld [smem:$0x3FB0];
	_ =	sdelay $0x3  }
0x34: {  	[smem:$0x3FB0] =	sst s10  }
0x35: {  	s10 =	sld [smem:$0x3FAF];
	_ =	sdelay $0x3  }
0x36: {  	p1 =	seq.s32 s10, $0x1;
	s10 =	sld [smem:$0x3FB0];
	_ =	sdelay $0x3  }
0x37: {  	[smem:$0x3FB0] =	sst s10  }
0x38: {  	s10 =	sld [smem:$0x3FB1]  }
0x39: {  	_ = 	snop;
	(pc) =	sbr.ind lr, $3  }
0x3a: {  	_ = 	snop  }
0x3b: {  	_ = 	snop  }
0x3c: {  	p2 =	seq.s32 s10, $0x1;
	s10 =	sld [smem:$0x3FB0]  }
0x3d: {  	_ =	shalt  }
0x3e: {  	_ =	shalt  }
0x3f: {  	_ =	shalt  }
0x40: {  	_ =	shalt  }
0x41: {  	_ =	shalt  }
0x42: {  	_ =	shalt  }
0x43: {  	_ =	shalt  }
0x44: {  	_ =	shalt  }
0x45: {  	_ =	shalt  }
0x46: {  	_ =	shalt  }
0x47: {  	_ =	shalt  }
0x48: {  	_ =	shalt  }
0x49: {  	_ =	shalt  }
0x4a: {  	_ =	shalt  }
0x4b: {  	_ =	shalt  }
0x4c: {  	_ =	shalt  }
0x4d: {  	_ =	shalt  }
0x4e: {  	_ =	shalt  }
0x4f: {  	_ =	shalt  }
0x50: {  	_ =	shalt  }
0x51: {  	_ =	shalt  }
0x52: {  	_ =	shalt  }
0x53: {  	_ =	shalt  }
0x54: {  	_ =	shalt  }
0x55: {  	_ =	shalt  }
0x56: {  	_ =	shalt  }
0x57: {  	_ =	shalt  }
0x58: {  	_ =	shalt  }
0x59: {  	_ =	shalt  }
0x5a: {  	_ =	shalt  }
0x5b: {  	_ =	shalt  }
0x5c: {  	_ =	shalt  }
0x5d: {  	_ =	shalt  }
0x5e: {  	_ =	shalt  }
0x5f: {  	_ =	shalt  }
0x60: {  	_ =	shalt  }
0x61: {  	_ =	shalt  }
0x62: {  	_ =	shalt  }
0x63: {  	_ =	shalt  }
0x64: {  	_ =	shalt  }
0x65: {  	_ =	shalt  }
0x66: {  	_ =	shalt  }
0x67: {  	_ =	shalt  }
0x68: {  	_ =	shalt  }
0x69: {  	_ =	shalt  }
0x6a: {  	_ =	shalt  }
0x6b: {  	_ =	shalt  }
0x6c: {  	_ =	shalt  }
0x6d: {  	_ =	shalt  }
0x6e: {  	_ =	shalt  }
0x6f: {  	_ =	shalt  }
0x70: {  	_ =	shalt  }
0x71: {  	_ =	shalt  }
0x72: {  	_ =	shalt  }
0x73: {  	_ =	shalt  }
0x74: {  	_ =	shalt  }
0x75: {  	_ =	shalt  }
0x76: {  	_ =	shalt  }
0x77: {  	_ =	shalt  }
0x78: {  	_ =	shalt  }
0x79: {  	_ =	shalt  }
0x7a: {  	_ =	shalt  }
0x7b: {  	_ =	shalt  }
0x7c: {  	_ =	shalt  }
0x7d: {  	_ =	shalt  }
0x7e: {  	_ =	shalt  }
0x7f: {  	_ =	shalt  }
0x80: {  	_ =	shalt  }
0x81: {  	_ =	shalt  }
0x82: {  	_ =	shalt  }
0x83: {  	_ =	shalt  }
0x84: {  	_ =	shalt  }
0x85: {  	_ =	shalt  }
0x86: {  	_ =	shalt  }
0x87: {  	_ =	shalt  }
.Lfunc_end0:
.L_simem_size_0:
called_computation.1_lowered:
.L_overlay_start_0:
0x88: {  	s2 =	sld [smem:$0x3FD9]  }
0x89: {  	s3 =	sld [smem:$0x3FFE];
	_ =	sdelay $0x1  }
0x8a: {  	s1 =	srdreg.scid  }
0x8b: {  	s0 =	sand.u32 $0x1, s1  }
0x8c: {  	s16 =	sshll.u32 s0, $0xA;
	s2 =	sadd.s32 s3, s2  }
0x8d: {  	s2 =	sadd.s32 s2, s16  }
0x8e: {  	[smem:$0x3FBC] =	sst s2  }
0x8f: {  	_ = 	snop  }
0x90: {  	(tm) =	ssettm $0x1  }
0x91: {  	s17 =	sld [smem:$0x3FFB];
	_ =	sdelay $0x3  }
0x92: {  	_ =	strace s17  }
0x93: {  	s2 =	sld [smem:$0x3FFC];
	_ =	sdelay $0x3  }
0x94: {  	_ =	strace s2  }
0x95: {  	s2 =	sld [smem:$0x3FFD];
	_ =	sdelay $0x3  }
0x96: {  	_ =	strace s2  }
0x97: {  	_ =	strace $0x8FFFFFFF  }
0x98: {  	s18 =	sld [smem:$0x3FDB];
	_ =	sdelay $0x1  }
0x99: {  	s19 =	simm.s32 $_scs_section_size  }
0x9a: {  	s4 =	simm.s32 $_size__tile_overlayer_lowered;
	s5 =	simm.s32 $_tile_overlayer_lowered  }
0x9b: {  	s22 =	simm.s32 $0x1BFF;
	s21 =	sshll.u32 s5, $0x1;
	s2 =	sadd.s32 s19, s18  }
0x9c: {  	s6 =	simm.s32 $0x0;
	s20 =	sshll.u32 s4, $0x1;
	s4 =	sadd.s32 s21, s2  }
0x9d: {  	[timem:s6], [sflag:s22] =	dma.local [hbm:s4], s20  }
0x9e: {  	_ =	swait.ge [sflag:s22], s20  }
0x9f: {  	s3 =	ssub.s32 $0x0, s20;
	[sflag:s22] =	ssyncset.done $0x0  }
0xa0: {  	[sflag:s22] =	ssyncadd.s32 s3;
	_ =	sdelay $0x1  }
0xa1: {  	s23 =	simm.s32 $0x1B8B  }
0xa2: {  	_ =	swait.ge [sflag:s23], $0x1  }
0xa3: {  	[sflag:s23] =	ssyncset.done $0x0  }
0xa4: {  	s25 =	simm.s32 $0x1B8E;
	s24 =	sld [smem:$0x3FFE];
	[sflag:s23] =	ssyncadd.s32 $0xFFFFFFFF  }
0xa5: {  	s26 =	simm.s32 $execute0_lowered;
	[smem:$0x3FD2] =	sst s25  }
0xa6: {  	s4 =	sshll.u32 s26, $0x1;
	_ =	strace $0x80000049;
	[dreg:$0x1] =	wrdreg $0xFFFFFFFF  }
0xa7: {  	s28 =	simm.s32 $_size_execute0_lowered;
	s2 =	sadd.s32 s2, s4;
	[dreg:$0x0] =	wrdreg $0x0  }
0xa8: {  	s4 =	sshll.u32 s28, $0x1;
	[dreg:$0x2] =	wrdreg s2  }
0xa9: {  	[dreg:$0x3] =	wrdreg s4  }
0xaa: {  	[dreg:$0x4] =	wrdreg $0xC0  }
0xab: {  	_ =	task [dreg:s6], $0x5FFFF  }
0xac: {  	[dreg:$0x1] =	wrdreg $0xFFFFFFFF  }
0xad: {  	[dreg:$0x0] =	wrdreg $0x60  }
0xae: {  	[dreg:$0x2] =	wrdreg s24  }
0xaf: {  	[dreg:$0x3] =	wrdreg $0xC0000  }
0xb0: {  	[dreg:$0x4] =	wrdreg $0x9  }
0xb1: {  	_ =	task.clear_ibuf [dreg:s6], $0x5FFFF;
	_ =	strace $0x90000049  }
0xb2: {  	s29 =	simm.s32 $0x9;
	_ =	strace $0x8000004B  }
0xb3: {  	_ =	swait.ge [sflag:s29], $0x1  }
0xb4: {  	[sflag:s29] =	ssyncadd.s32 $0xFFFFFFFF  }
0xb5: {  	_ =	strace $0x9000004B  }
0xb6: {  	_ =	sfence  }
0xb7: {  	s30 =	sld [smem:$0x0];
	_ =	sdelay $0x2  }
0xb8: {  	s31 =	sshll.u32 s1, $0xD;
	s1 =	sshrl.u32 s1, $0x2  }
0xb9: {  	s3 =	sand.u32 $0x4000, s31;
	s1 =	sadd.s32 s1, s30  }
0xba: {  	s0 =	sor.u32 s3, s0;
	s1 =	sshll.u32 s1, $0x11  }
0xbb: {  	s0 =	sor.u32 s1, s0  }
0xbc: {  	s0 =	sadd.s32 $0x8F2B, s0  }
0xbd: {  	[sflag:s0] =	ssyncadd.remote.s32 $0x1  }
0xbe: {  	_ =	sfence.sel $0xFFFF  }
0xbf: {  	[dreg:$0x0] =	wrdreg $0xFFFFFFFF;
	(pc) =	sbr.abs _section_cstart, $3  }
0xc0: {  	[dreg:$0x1] =	wrdreg $0xFFFFFFFF  }
0xc1: {  	_ =	task.clear_ibuf [dreg:s6], $0x2FFFF;
	_ =	strace $0x9FFFFFFF  }
0xc2: {  	(tm) =	ssettm $0x7FFFFFFF  }
0xc3: {  	_ =	shalt  }
tec
execute0_lowered:
.L_overlay_start_1:
0x0: {  	(tag) =	ssettag $0x1  }
0x1: {  	s5 =	rddreg [dreg:$0x0]  }
0x2: {  	s2 =	rddreg [dreg:$0x1]  }
0x3: {  	s0 =	rddreg [dreg:$0x2];
	s3 =	simm.s32 $0x0;
	s1 =	stileid.u32  }
0x4: {  	s4 =	srdreg.scid;
	s16 =	simm.s32 $0x8000;
	s17 =	simm.s32 $0x1  }
0x5: {  	s18 =	simm.s32 $0x0;
	[smem:$0x7FF] =	sst s3;
	s6 =	smul.u32 $0x13C00, s1  }
0x6: {  	s13 =	sand.u32 $0x1, s4;
	s4 =	sadd.s32 $0x3DE00, s5;
	s9 =	sadd.s32 $0xC600, s5  }
0x7: {  	s10 =	sadd.s32 $0x2600, s5;
	s24 =	smul.u32 $0x4F000, s1;
	s28 =	sshll.u32 s1, $0x9  }
0x8: {  	s29 =	sshll.u32 s1, $0x6;
	s31 =	sshll.u32 s1, $0xB;
	_ =	strace $0x8000004A  }
0x9: {  	s7 =	smul.u32 $0x13C000, s13;
	s11 =	ssub.s32 $0x2, s13;
	s30 =	sor.u32 $0x8000, s28  }
0xa: {  	p0 =	sne.s32 s13, $0x0;
	s8 =	sshrl.u32 s6, $0x3;
	s25 =	sshrl.u32 s11, $0x1  }
0xb: {  	s26 =	sshrl.u32 s24, $0x2;
	s6 =	sadd.s32 s6, s7;
	s8 =	sadd.s32 s8, s5  }
0xc: {  	s14 =	ssub.s32 s11, s25;
	s15 =	sadd.s32 s26, s2;
	s7 =	sadd.s32 s9, s30  }
0xd: {  	s9 =	sadd.s32 s9, s31;
	s6 =	sshrl.u32 s6, $0x3;
	s13 =	sshrl.u32 s15, $0x3  }
0xe: {  	s15 =	simm.s32 $0x80;
	s12 =	sadd.s32 s6, s5;
	s5 =	sadd.s32 $0x16600, s8  }
0xf: {  	s6 =	sor.u32 $0x1C02, s29;
	s8 =	sadd.s32 s10, s30;
	s10 =	sadd.s32 s10, s31  }
0x10: {  	s11 =	sadd.s32 $0x65000, s12;
	s12 =	smax.u32 s14, $0x1;
	s14 =	simm.s32 $0x2  }
.LBB2_1:
0x11: {  	[spmem:s13], [sflag:s6] =	dma.local [hbm:s5], $0x2780  }
0x12: {  	_ =	swait.ge [sflag:s14], $0x2780  }
0x13: {  	[sflag:s14] =	ssyncset.done $0x0  }
0x14: {  	[sflag:s14] =	ssyncadd.s32 $0xFFFFD880  }
0x15: {  	s19 =	simm.s32 @p0 $0x0;
	s20 =	simm.s32 @p0 $0x2;
	[bflag:$0x0] =	sbarrier.arrive $0xFFFF  }
0x16: {  	[tilespmem:s19], [sflag:$0x2] =	stream.linear.gather @p0 [hbm4b:s7+s19], $0x1000, $0x38;
	[tilespmem:$0x1FC00] =	vst v63  }
0x17: {  	_ =	swait.ge @p0 [sflag:s20], $0x1000  }
0x18: {  	[sflag:s20] =	ssyncset.done @p0 $0x0  }
0x19: {  	s21 =	simm.s32 @p0 $0x4000;
	[sflag:s20] =	ssyncadd.s32 @p0 $0xFFFFF000  }
0x1a: {  	[tilespmem:s21], [sflag:$0x2] =	stream.linear.gather @p0 [hbm4b:s8+s19], $0x1000, $0x38;
	[tilespmem:$0x1FC00] =	vst v63  }
0x1b: {  	_ =	swait.ge @p0 [sflag:s20], $0x1000  }
0x1c: {  	[sflag:s20] =	ssyncset.done @p0 $0x0  }
0x1d: {  	s19 =	simm.s32 @!p0 $0x0;
	[sflag:s20] =	ssyncadd.s32 @p0 $0xFFFFF000;
	s20 =	simm.s32 @!p0 $0x2  }
0x1e: {  	[tilespmem:s19], [sflag:$0x2] =	stream.linear.gather @!p0 [hbm4b:s9+s19], $0x4000, $0x38;
	[tilespmem:$0x1FC00] =	vst v63  }
0x1f: {  	_ =	swait.ge @!p0 [sflag:s20], $0x4000  }
0x20: {  	[sflag:s20] =	ssyncset.done @!p0 $0x0  }
0x21: {  	s21 =	simm.s32 @!p0 $0x4000;
	[sflag:s20] =	ssyncadd.s32 @!p0 $0xFFFFC000  }
0x22: {  	[tilespmem:s21], [sflag:$0x2] =	stream.linear.gather @!p0 [hbm4b:s10+s19], $0x4000, $0x38;
	[tilespmem:$0x1FC00] =	vst v63  }
0x23: {  	_ =	swait.ge @!p0 [sflag:s20], $0x4000  }
0x24: {  	[sflag:s20] =	ssyncset.done @!p0 $0x0  }
0x25: {  	[sflag:s20] =	ssyncadd.s32 @!p0 $0xFFFFC000;
	s20 =	simm.s32 @!p0 $0x80  }
0x26: {  	[tilespmem:s16], [sflag:$0x1] =	stream.indirect.gather [hbm4b:s4+s15], $0x80, s3, s15, $0xb8;
	[tilespmem:$0x1FC00] =	vst v63  }
0x27: {  	s20 =	simm.s32 @p0 $0x20  }
0x28: {  	_ =	swait.ge [sflag:s17], $0x4000;
	p1 =	sne.s32 s20, $0x1  }
.Ltmp0:
0x29: {  	[sflag:s17] =	ssyncset.done $0x0;
	(pc) =	sbr.rel @!p1 .LBB2_3-.Ltmp0, $4  }
0x2a: {  	s19 =	simm.s32 $0x4000;
	[sflag:s17] =	ssyncadd.s32 $0xFFFFC000  }
0x2b: {  	[spmem:s2] =	stream.indirect.scatter.add.f32 [tilespmem:s16], [sflag:$0x2], $0x80, s19, s15, $0xb8;
	[tilespmem:$0x1FC00] =	vst v63  }
0x2c: {  	_ =	swait.ge [sflag:s14], $0x4000  }
0x2d: {  	s21 =	simm.s32 $0x0;
	s20 =	sadd.s32 $0xFFFFFFFF, s20;
	[sflag:s14] =	ssyncset.done $0x0  }
.LBB2_2:
0x2e: {  	[sflag:s14] =	ssyncadd.s32 $0xFFFFC000;
	s21 =	sadd.s32 $0x80, s21;
	s19 =	sadd.s32 $0x80, s19  }
0x2f: {  	[tilespmem:s16], [sflag:$0x1] =	stream.indirect.gather [hbm4b:s4+s15], $0x80, s21, s15, $0xb8;
	[tilespmem:$0x1FC00] =	vst v63  }
0x30: {  	p1 =	sne.s32 s20, $0x1;
	s20 =	sadd.s32 $0xFFFFFFFF, s20;
	_ =	swait.ge [sflag:s17], $0x4000  }
.Ltmp1:
0x31: {  	[sflag:s17] =	ssyncset.done $0x0;
	(pc) =	sbr.rel @p1 .LBB2_2-.Ltmp1, $4  }
0x32: {  	[sflag:s17] =	ssyncadd.s32 $0xFFFFC000  }
0x33: {  	[spmem:s2] =	stream.indirect.scatter.add.f32 [tilespmem:s16], [sflag:$0x2], $0x80, s19, s15, $0xb8;
	[tilespmem:$0x1FC00] =	vst v63  }
0x34: {  	_ =	swait.ge [sflag:s14], $0x4000  }
0x35: {  	[sflag:s14] =	ssyncset.done $0x0  }
.LBB2_3:
0x36: {  	s18 =	sadd.s32 $0x1, s18  }
0x37: {  	[sflag:s14] =	ssyncadd.s32 $0xFFFFC000;
	p1 =	sne.s32 s18, s12  }
.Ltmp2:
0x38: {  	[bflag:$0x0] =	sbarrier.arrive $0xFFFF;
	(pc) =	sbr.rel @p1 .LBB2_1-.Ltmp2, $4  }
0x39: {  	[hbm:s11], [sflag:s6] =	dma.local [spmem:s13], $0x2780  }
0x3a: {  	_ =	swait.ge [sflag:s14], $0x2780  }
0x3b: {  	[sflag:s14] =	ssyncset.done $0x0  }
0x3c: {  	[sflag:s14] =	ssyncadd.s32 $0xFFFFD880  }
0x3d: {  	_ =	sfence.sel $0x180000  }
0x3e: {  	[bflag:$0x0] =	sbarrier.arrive $0xFFFF  }
0x3f: {  	p0 =	sne.s32 s1, $0x0;
	_ =	strace $0x9000004A  }
0x40: {  	s0 =	sadd.s32 @!p0 $0x100000, s0;
	[bflag:$0x2] =	sbarrier.arrive $0xFFFF  }
0x41: {  	[sflag:s0] =	ssyncadd.tile.s32 @!p0 $0x1;
	_ =	shalt  }
.Lfunc_end2:
_tile_overlayer_lowered:
.L_overlay_start_2:
0x42: {  	(tag) =	ssettag $0x2  }
0x43: {  	s0 =	rddreg [dreg:$0x0];
	s2 =	stileid.u32  }
0x44: {  	s1 =	rddreg [dreg:$0x1];
	p0 =	sne.s32 s2, $0x0  }
0x45: {  	s3 =	rddreg [dreg:$0x2];
	[bflag:$0x3] =	sbarrier.arrive $0xFFFF;
	s2 =	simm.s32 @!p0 $0x1C02  }
0x46: {  	[timem:s3], [sflag:s2] =	dma.local @!p0 [hbm:s0], s1  }
0x47: {  	s0 =	simm.s32 @!p0 $0x2  }
0x48: {  	_ =	swait.ge @!p0 [sflag:s0], s1  }
0x49: {  	s1 =	ssub.s32 @!p0 $0x0, s1;
	[sflag:s0] =	ssyncset.done @!p0 $0x0  }
0x4a: {  	[sflag:s0] =	ssyncadd.s32 @!p0 s1  }
0x4b: {  	[bflag:$0x3] =	sbarrier.arrive $0xFFFF  }
0x4c: {  	_ =	shalt  }

</sc_bundles>
